<compile_context>
chip_gen: v7x
topology: tpu7x:2x2x1
jax: 0.10.2.dev20260603
libtpu: 0.0.44.dev20260713+nightly
codegen_flags: <defaults>
</compile_context>

<pallas_src>
import functools

import jax
import jax.numpy as jnp
from jax import lax
from jax.experimental import pallas as pl
from jax.experimental.pallas import tpu as pltpu
from jax.experimental.pallas import tpu_sc as plsc

N = 10000
E = 160000
D = 128

NC = 2
NS = 16
NW = NC * NS
EPW = E // NW
CH = 125
NCHUNK = EPW // CH



def _deg_body(dst_hbm, out_hbm, deg_v, idx_v):
    c = lax.axis_index("c")
    s = lax.axis_index("s")
    wid = s * NC + c

    zeros16 = jnp.zeros((16,), jnp.float32)

    def zero_body(i, _):
        deg_v[pl.ds(i * 16, 16)] = zeros16
        return 0

    lax.fori_loop(0, N // 16, zero_body, 0)

    pltpu.sync_copy(dst_hbm.at[wid], idx_v)

    ones16 = jnp.ones((16,), jnp.float32)
    nfull = EPW // 16

    def scat_body(i, _):
        idx = idx_v[pl.ds(i * 16, 16)]
        plsc.addupdate_scatter(deg_v, [idx], ones16)
        return 0

    lax.fori_loop(0, nfull, scat_body, 0)

    rem = EPW - nfull * 16
    if rem:
        idx = idx_v[pl.ds(EPW - 16, 16)]
        mask = lax.iota(jnp.int32, 16) >= (16 - rem)
        plsc.addupdate_scatter(deg_v, [idx], ones16, mask=mask)

    pltpu.sync_copy(deg_v, out_hbm.at[wid])


def _msg_body(u_hbm, src_hbm, dst_hbm, out_hbm, src_v, dst_v, rows0_v,
              acc_sh, sem0):
    c = lax.axis_index("c")
    s = lax.axis_index("s")
    wid = s * NC + c

    zeros16 = jnp.zeros((16,), jnp.float32)

    def zrow(r, _):
        for j in range(D // 16):
            rows0_v[r, pl.ds(j * 16, 16)] = zeros16
        return 0

    lax.fori_loop(0, CH, zrow, 0)

    @pl.when(s < 10)
    def _():
        for k in range(8):
            pltpu.sync_copy(rows0_v, acc_sh.at[pl.ds(s * 1000 + k * CH, CH)])

    pltpu.sync_copy(src_hbm.at[wid], src_v)
    pltpu.sync_copy(dst_hbm.at[wid], dst_v)

    plsc.subcore_barrier()

    def chunk_body(j, _):
        pltpu.async_copy(u_hbm.at[src_v.at[j]], rows0_v, sem0).wait()
        pltpu.sync_copy(rows0_v, acc_sh.at[dst_v.at[j]], add=True)
        return 0

    lax.fori_loop(0, NCHUNK, chunk_body, 0)

    plsc.subcore_barrier()

    @pl.when(s < 10)
    def _():
        pltpu.sync_copy(
            acc_sh.at[pl.ds(s * 1000, 1000)],
            out_hbm.at[c, pl.ds(s * 1000, 1000)],
        )


@functools.cache
def _sc_kernels():
    mesh = plsc.VectorSubcoreMesh(
        core_axis_name="c", subcore_axis_name="s", num_cores=NC, num_subcores=NS
    )
    params = pltpu.CompilerParams(needs_layout_passes=False)
    deg_k = pl.kernel(
        _deg_body,
        out_type=jax.ShapeDtypeStruct((NW, N), jnp.float32),
        mesh=mesh,
        compiler_params=params,
        scratch_types=[
            pltpu.VMEM((N,), jnp.float32),
            pltpu.VMEM((EPW,), jnp.int32),
        ],
    )
    msg_k = pl.kernel(
        _msg_body,
        out_type=jax.ShapeDtypeStruct((NC, N, D), jnp.float32),
        mesh=mesh,
        compiler_params=params,
        scratch_types=[
            pltpu.VMEM((NCHUNK, CH), jnp.int32),
            pltpu.VMEM((NCHUNK, CH), jnp.int32),
            pltpu.VMEM((CH, D), jnp.float32),
            pltpu.VMEM_SHARED((N, D), jnp.float32),
            pltpu.SemaphoreType.DMA,
        ],
    )
    return deg_k, msg_k



_RB = 1000


def _dinv_body(degp_ref, dinv_ref):
    deg = jnp.sum(degp_ref[...], axis=0) + 1.0
    dinv_ref[...] = lax.rsqrt(deg)[:, None]


def _dinv_call(degp):
    return pl.pallas_call(
        _dinv_body,
        out_shape=jax.ShapeDtypeStruct((N, 1), jnp.float32),
    )(degp)


def _u_body(x_ref, w_ref, dinv_ref, u_ref):
    h = jnp.dot(x_ref[...], w_ref[...], preferred_element_type=jnp.float32)
    u_ref[...] = h * dinv_ref[...]


def _u_call(x, W, dinv):
    return pl.pallas_call(
        _u_body,
        grid=(N // _RB,),
        in_specs=[
            pl.BlockSpec((_RB, D), lambda i: (i, 0)),
            pl.BlockSpec((D, D), lambda i: (0, 0)),
            pl.BlockSpec((_RB, 1), lambda i: (i, 0)),
        ],
        out_specs=pl.BlockSpec((_RB, D), lambda i: (i, 0)),
        out_shape=jax.ShapeDtypeStruct((N, D), jnp.float32),
    )(x, W, dinv)


_RSB = 200


def _rowsum_body(a_ref, degA_ref, tot_ref):
    i = pl.program_id(0)
    part = jnp.sum(a_ref[...], axis=1, keepdims=True)
    degA_ref[...] = part
    blk = jnp.sum(part).reshape(1, 1)

    @pl.when(i == 0)
    def _():
        tot_ref[...] = blk

    @pl.when(i > 0)
    def _():
        tot_ref[...] += blk


def _rowsum_call(A):
    return pl.pallas_call(
        _rowsum_body,
        grid=(N // _RSB,),
        in_specs=[pl.BlockSpec((_RSB, N), lambda i: (i, 0))],
        out_specs=[
            pl.BlockSpec((_RSB, 1), lambda i: (i, 0)),
            pl.BlockSpec((1, 1), lambda i: (0, 0)),
        ],
        out_shape=[
            jax.ShapeDtypeStruct((N, 1), jnp.float32),
            jax.ShapeDtypeStruct((1, 1), jnp.float32),
        ],
        compiler_params=pltpu.CompilerParams(
            dimension_semantics=("arbitrary",),
        ),
    )(A)


def _final_body(u_ref, acc_ref, dinv_ref, degA_ref, tot_ref, w_ref, t_ref,
                b_ref, out_ref):
    gcn = dinv_ref[...] * (acc_ref[0] + acc_ref[1] + u_ref[...]) + b_ref[...]

    T = t_ref[...]
    z = gcn / T
    m = jnp.max(z, axis=1, keepdims=True)
    e = jnp.exp(z - m)
    ssum = jnp.sum(e, axis=1, keepdims=True)
    p = e / ssum
    logp = jnp.log(p + 1e-12)
    H = -jnp.sum(p * logp, axis=1, keepdims=True)
    g = -(p * (logp + H)) / T
    wn = degA_ref[...] / (tot_ref[...] + 1e-12)
    out_ref[...] = gcn + w_ref[...] * (g * wn)


def _final_call(u, accp, dinv, degA, tot, weight, temperature, b):
    return pl.pallas_call(
        _final_body,
        grid=(N // _RB,),
        in_specs=[
            pl.BlockSpec((_RB, D), lambda i: (i, 0)),
            pl.BlockSpec((NC, _RB, D), lambda i: (0, i, 0)),
            pl.BlockSpec((_RB, 1), lambda i: (i, 0)),
            pl.BlockSpec((_RB, 1), lambda i: (i, 0)),
            pl.BlockSpec((1, 1), lambda i: (0, 0)),
            pl.BlockSpec((1, 1), lambda i: (0, 0)),
            pl.BlockSpec((1, 1), lambda i: (0, 0)),
            pl.BlockSpec((1, D), lambda i: (0, 0)),
        ],
        out_specs=pl.BlockSpec((_RB, D), lambda i: (i, 0)),
        out_shape=jax.ShapeDtypeStruct((N, D), jnp.float32),
    )(u, accp, dinv, degA, tot, weight, temperature, b)



@jax.jit
def kernel(x, edge_index, A, weight, temperature, W, b):
    src = edge_index[0].reshape(NW, NCHUNK, CH)
    dst = edge_index[1]

    deg_k, msg_k = _sc_kernels()
    degp = deg_k(dst.reshape(NW, EPW))
    dinv = _dinv_call(degp)
    u = _u_call(x, W, dinv)
    accp = msg_k(u, src, dst.reshape(NW, NCHUNK, CH))
    degA, tot = _rowsum_call(A)
    return _final_call(
        u, accp, dinv, degA, tot,
        weight.reshape(1, 1), temperature.reshape(1, 1), b.reshape(1, D),
    )

# --- scband reference (transcript-rebuilt; emitter-appended) ---
"""Pipeline reference for scband-entropic-layer-76063870812585 (READ-ONLY COPY).

The authoritative reference and input builder live on the scoring server;
editing this copy changes nothing except your own understanding.
"""

import jax, jax.numpy as jnp
import numpy as np

N = 10000
E = 160000
D_IN = 128
D_OUT = 128


def setup_inputs(seed: int = 0) -> dict:
    key = jax.random.key(seed)
    ks = jax.random.split(key, 6)
    x = jax.random.normal(ks[0], (N, D_IN), dtype=jnp.float32)
    edge_index = jax.random.randint(ks[1], (2, E), 0, N, dtype=jnp.int32)
    A = jax.random.uniform(ks[2], (N, N), dtype=jnp.float32)
    weight = jax.random.uniform(ks[3], (1,), dtype=jnp.float32)
    temperature = jnp.ones((1,), dtype=jnp.float32)
    W = jax.random.normal(ks[4], (D_IN, D_OUT), dtype=jnp.float32) / np.sqrt(D_IN)
    b = jnp.zeros((D_OUT,), dtype=jnp.float32)
    return {"x": x, "edge_index": edge_index, "A": A, "weight": weight, "temperature": temperature, "W": W, "b": b}


def _gcn_conv(x, edge_index, W, b):
    # PyG GCNConv: x' = D^{-1/2} (A_hat) D^{-1/2} (x W) + b, with self-loops
    src = edge_index[0]
    dst = edge_index[1]
    loop = jnp.arange(N, dtype=edge_index.dtype)
    src = jnp.concatenate([src, loop])
    dst = jnp.concatenate([dst, loop])
    deg = jnp.zeros((N,), jnp.float32).at[dst].add(1.0)
    dinv = jnp.where(deg > 0, jax.lax.rsqrt(deg), 0.0)
    norm = dinv[src] * dinv[dst]
    h = x @ W
    msg = h[src] * norm[:, None]
    out = jnp.zeros((N, h.shape[1]), h.dtype).at[dst].add(msg)
    return out + b


def _entropy_gradient(A, x, temperature):
    # Degree-weighted gradient of per-node Shannon entropy of softmax(x/T)
    T = temperature.reshape(())
    deg = A.sum(axis=1)
    p = jax.nn.softmax(x / T, axis=-1)
    logp = jnp.log(p + 1e-12)
    H = -jnp.sum(p * logp, axis=-1)
    g = -(p * (logp + H[:, None])) / T
    w = deg / (deg.sum() + 1e-12)  # normalized=True
    return g * w[:, None]


def reference(x, edge_index, A, weight, temperature, W, b):
    h = _gcn_conv(x, edge_index, W, b)
    eg = jax.lax.stop_gradient(_entropy_gradient(A, h, temperature))
    return h + weight.reshape(()) * eg

if __name__ == "__main__":
    import jax
    _d = setup_inputs()
    print(jax.jit(kernel)(*tuple(_d.values())))

</pallas_src>

<mosaic_0001>
#map = affine_map<(d0, d1) -> (0, 0)>
module attributes {stable_mosaic.version = 14 : i64} {
  func.func @_deg_body(%arg0: i32, %arg1: i32, %arg2: memref<32x5000xi32, #tpu.memory_space<hbm>>, %arg3: memref<32x10000xf32, #tpu.memory_space<hbm>>, %arg4: memref<10000xf32, #tpu.memory_space<vmem>>, %arg5: memref<5000xi32, #tpu.memory_space<vmem>>) attributes {dimension_semantics = [#tpu.dimension_semantics<core_parallel>, #tpu.dimension_semantics<subcore_parallel>], iteration_bounds = array<i64: 2, 16>, scalar_prefetch = 0 : i64, scratch_operands = 2 : i64, tpu.core_type = #tpu.core_type<sc_vector_subcore>, window_params = [{transform_indices = #map}, {transform_indices = #map}]} {
    %mul3A = arith.constant 2 : i32
    %mul3A_0 = arith.muli %arg1, %mul3A : i32
    %add3A = arith.addi %mul3A_0, %arg0 : i32
    %broadcast_in_dim3A = arith.constant 0.000000e+00 : f32
    %broadcast_in_dim3A_1 = vector.broadcast %broadcast_in_dim3A : f32 to vector<16xf32>
    %scan3A = arith.constant 0 : i32
    %scan3A_2 = arith.constant 0 : i32
    %scan3A_3 = arith.constant 625 : i32
    %scan3A_4 = arith.addi %scan3A_2, %scan3A_3 : i32
    %scan3A_5 = arith.constant 1 : i32
    %scan3A_6 = scf.for %scan3A_20 = %scan3A_2 to %scan3A_4 step %scan3A_5 iter_args(%scan3A_21 = %scan3A) -> (i32)  : i32 {
      %mul3A_22 = arith.constant 16 : i32
      %mul3A_23 = arith.muli %scan3A_20, %mul3A_22 : i32
      %swap3A = arith.index_cast %mul3A_23 : i32 to index
      %swap3A_24 = tpu.vector_load %arg4[%swap3A] {strides = array<i32>} : memref<10000xf32, #tpu.memory_space<vmem>>, vector<16xf32>,
      tpu.vector_store %arg4[%swap3A], %broadcast_in_dim3A_1 {strides = array<i32>} : memref<10000xf32, #tpu.memory_space<vmem>>, vector<16xf32>,
      %scan3A_25 = arith.constant 0 : i32
      scf.yield %scan3A_25 : i32
    }
    %scan3A_7 = arith.constant 625 : i32
    "tpu.region"() ({
      %run_scoped3A = tpu.sem_alloc : memref<!tpu.dma_semaphore, #tpu.memory_space<semaphore_mem>>
      %dma_start3A = arith.constant 0 : i32
      %dma_start3A_20 = tpu.memref_slice %arg2[%add3A, %dma_start3A] : memref<32x5000xi32, #tpu.memory_space<hbm>> -> memref<1x5000xi32, #tpu.memory_space<hbm>>
      %dma_start3A_21 = tpu.memref_squeeze %dma_start3A_20 : memref<1x5000xi32, #tpu.memory_space<hbm>> -> memref<5000xi32, #tpu.memory_space<hbm>>
      %dma_start3A_22 = arith.constant 0 : i32
      %dma_start3A_23 = tpu.memref_slice %arg2[%add3A, %dma_start3A_22] : memref<32x5000xi32, #tpu.memory_space<hbm>> -> memref<1x5000xi32, #tpu.memory_space<hbm>>
      %dma_start3A_24 = tpu.memref_squeeze %dma_start3A_23 : memref<1x5000xi32, #tpu.memory_space<hbm>> -> memref<5000xi32, #tpu.memory_space<hbm>>
      tpu.enqueue_dma source(%dma_start3A_24 : memref<5000xi32, #tpu.memory_space<hbm>>) target(%arg5 : memref<5000xi32, #tpu.memory_space<vmem>>) target_semaphore(%run_scoped3A : memref<!tpu.dma_semaphore, #tpu.memory_space<semaphore_mem>>)
      %dma_wait3A = arith.constant 0 : i32
      %dma_wait3A_25 = tpu.memref_slice %arg2[%add3A, %dma_wait3A] : memref<32x5000xi32, #tpu.memory_space<hbm>> -> memref<1x5000xi32, #tpu.memory_space<hbm>>
      %dma_wait3A_26 = tpu.memref_squeeze %dma_wait3A_25 : memref<1x5000xi32, #tpu.memory_space<hbm>> -> memref<5000xi32, #tpu.memory_space<hbm>>
      %dma_wait3A_27 = arith.constant 0 : i32
      %dma_wait3A_28 = tpu.memref_slice %arg2[%add3A, %dma_wait3A_27] : memref<32x5000xi32, #tpu.memory_space<hbm>> -> memref<1x5000xi32, #tpu.memory_space<hbm>>
      %dma_wait3A_29 = tpu.memref_squeeze %dma_wait3A_28 : memref<1x5000xi32, #tpu.memory_space<hbm>> -> memref<5000xi32, #tpu.memory_space<hbm>>
      tpu.wait_dma2 semaphore(%run_scoped3A : memref<!tpu.dma_semaphore, #tpu.memory_space<semaphore_mem>>) src(%dma_wait3A_29 : memref<5000xi32, #tpu.memory_space<hbm>>) dst(%arg5 : memref<5000xi32, #tpu.memory_space<vmem>>)
      tpu.yield
    }) : () -> ()
    %broadcast_in_dim3A_8 = arith.constant 1.000000e+00 : f32
    %broadcast_in_dim3A_9 = vector.broadcast %broadcast_in_dim3A_8 : f32 to vector<16xf32>
    %scan3A_10 = arith.constant 0 : i32
    %scan3A_11 = arith.constant 0 : i32
    %scan3A_12 = arith.constant 312 : i32
    %scan3A_13 = arith.addi %scan3A_11, %scan3A_12 : i32
    %scan3A_14 = arith.constant 1 : i32
    %scan3A_15 = scf.for %scan3A_20 = %scan3A_11 to %scan3A_13 step %scan3A_14 iter_args(%scan3A_21 = %scan3A_10) -> (i32)  : i32 {
      %mul3A_22 = arith.constant 16 : i32
      %mul3A_23 = arith.muli %scan3A_20, %mul3A_22 : i32
      %get3A_24 = arith.index_cast %mul3A_23 : i32 to index
      %get3A_25 = tpu.vector_load %arg5[%get3A_24] {strides = array<i32>} : memref<5000xi32, #tpu.memory_space<vmem>>, vector<16xi32>,
      tpu.vector_store_idx %arg4[%get3A_25], %broadcast_in_dim3A_9 {add = true} : memref<10000xf32, #tpu.memory_space<vmem>>[vector<16xi32>], vector<16xf32>,
      %scan3A_26 = arith.constant 0 : i32
      scf.yield %scan3A_26 : i32
    }
    %scan3A_16 = arith.constant 312 : i32
    %get3A = arith.constant 4984 : index
    %get3A_17 = tpu.vector_load %arg5[%get3A] {strides = array<i32>} : memref<5000xi32, #tpu.memory_space<vmem>>, vector<16xi32>,
    %iota3A = tpu.iota {dimensions = array<i32: 0>} : vector<16xi32>
    %ge3A = arith.constant 8 : i32
    %ge3A_18 = vector.broadcast %ge3A : i32 to vector<16xi32>
    %ge3A_19 = arith.cmpi sge, %iota3A, %ge3A_18 : vector<16xi32>
    tpu.vector_store_idx %arg4[%get3A_17], %broadcast_in_dim3A_9 masked %ge3A_19 {add = true} : memref<10000xf32, #tpu.memory_space<vmem>>[vector<16xi32>], vector<16xf32>, vector<16xi1>
    "tpu.region"() ({
      %run_scoped3A = tpu.sem_alloc : memref<!tpu.dma_semaphore, #tpu.memory_space<semaphore_mem>>
      %dma_start3A = arith.constant 0 : i32
      %dma_start3A_20 = tpu.memref_slice %arg3[%add3A, %dma_start3A] : memref<32x10000xf32, #tpu.memory_space<hbm>> -> memref<1x10000xf32, #tpu.memory_space<hbm>>
      %dma_start3A_21 = tpu.memref_squeeze %dma_start3A_20 : memref<1x10000xf32, #tpu.memory_space<hbm>> -> memref<10000xf32, #tpu.memory_space<hbm>>
      %dma_start3A_22 = arith.constant 0 : i32
      %dma_start3A_23 = tpu.memref_slice %arg3[%add3A, %dma_start3A_22] : memref<32x10000xf32, #tpu.memory_space<hbm>> -> memref<1x10000xf32, #tpu.memory_space<hbm>>
      %dma_start3A_24 = tpu.memref_squeeze %dma_start3A_23 : memref<1x10000xf32, #tpu.memory_space<hbm>> -> memref<10000xf32, #tpu.memory_space<hbm>>
      tpu.enqueue_dma source(%arg4 : memref<10000xf32, #tpu.memory_space<vmem>>) target(%dma_start3A_24 : memref<10000xf32, #tpu.memory_space<hbm>>) target_semaphore(%run_scoped3A : memref<!tpu.dma_semaphore, #tpu.memory_space<semaphore_mem>>)
      %dma_wait3A = arith.constant 0 : i32
      %dma_wait3A_25 = tpu.memref_slice %arg3[%add3A, %dma_wait3A] : memref<32x10000xf32, #tpu.memory_space<hbm>> -> memref<1x10000xf32, #tpu.memory_space<hbm>>
      %dma_wait3A_26 = tpu.memref_squeeze %dma_wait3A_25 : memref<1x10000xf32, #tpu.memory_space<hbm>> -> memref<10000xf32, #tpu.memory_space<hbm>>
      %dma_wait3A_27 = arith.constant 0 : i32
      %dma_wait3A_28 = tpu.memref_slice %arg3[%add3A, %dma_wait3A_27] : memref<32x10000xf32, #tpu.memory_space<hbm>> -> memref<1x10000xf32, #tpu.memory_space<hbm>>
      %dma_wait3A_29 = tpu.memref_squeeze %dma_wait3A_28 : memref<1x10000xf32, #tpu.memory_space<hbm>> -> memref<10000xf32, #tpu.memory_space<hbm>>
      tpu.wait_dma2 semaphore(%run_scoped3A : memref<!tpu.dma_semaphore, #tpu.memory_space<semaphore_mem>>) src(%arg4 : memref<10000xf32, #tpu.memory_space<vmem>>) dst(%dma_wait3A_29 : memref<10000xf32, #tpu.memory_space<hbm>>)
      tpu.yield
    }) : () -> ()
    return
  }
}

#map = affine_map<(d0, d1) -> (0, 0)>
#map1 = affine_map<(d0, d1) -> (0, 0, 0)>
module attributes {stable_mosaic.version = 14 : i64} {
  func.func @_msg_body(%arg0: i32, %arg1: i32, %arg2: memref<10000x128xf32, #tpu.memory_space<hbm>>, %arg3: memref<32x40x125xi32, #tpu.memory_space<hbm>>, %arg4: memref<32x40x125xi32, #tpu.memory_space<hbm>>, %arg5: memref<2x10000x128xf32, #tpu.memory_space<hbm>>, %arg6: memref<40x125xi32, #tpu.memory_space<vmem>>, %arg7: memref<40x125xi32, #tpu.memory_space<vmem>>, %arg8: memref<125x128xf32, #tpu.memory_space<vmem>>, %arg9: memref<10000x128xf32, #tpu.memory_space<vmem_shared>>, %arg10: memref<!tpu.dma_semaphore, #tpu.memory_space<semaphore_mem>>) attributes {dimension_semantics = [#tpu.dimension_semantics<core_parallel>, #tpu.dimension_semantics<subcore_parallel>], iteration_bounds = array<i64: 2, 16>, scalar_prefetch = 0 : i64, scratch_operands = 5 : i64, tpu.core_type = #tpu.core_type<sc_vector_subcore>, window_params = [{transform_indices = #map}, {transform_indices = #map1}, {transform_indices = #map1}, {transform_indices = #map1}]} {
    %mul3A = arith.constant 2 : i32
    %mul3A_0 = arith.muli %arg1, %mul3A : i32
    %add3A = arith.addi %mul3A_0, %arg0 : i32
    %broadcast_in_dim3A = arith.constant 0.000000e+00 : f32
    %broadcast_in_dim3A_1 = vector.broadcast %broadcast_in_dim3A : f32 to vector<16xf32>
    %scan3A = arith.constant 0 : i32
    %scan3A_2 = arith.constant 0 : i32
    %scan3A_3 = arith.constant 125 : i32
    %scan3A_4 = arith.addi %scan3A_2, %scan3A_3 : i32
    %scan3A_5 = arith.constant 1 : i32
    %scan3A_6 = scf.for %scan3A_23 = %scan3A_2 to %scan3A_4 step %scan3A_5 iter_args(%scan3A_24 = %scan3A) -> (i32)  : i32 {
      %swap3A = arith.index_cast %scan3A_23 : i32 to index
      %swap3A_25 = arith.constant 0 : index
      %swap3A_26 = tpu.vector_load %arg8[%swap3A, %swap3A_25] {strides = array<i32>} : memref<125x128xf32, #tpu.memory_space<vmem>>, vector<16xf32>,
      tpu.vector_store %arg8[%swap3A, %swap3A_25], %broadcast_in_dim3A_1 {strides = array<i32>} : memref<125x128xf32, #tpu.memory_space<vmem>>, vector<16xf32>,
      %swap3A_27 = arith.index_cast %scan3A_23 : i32 to index
      %swap3A_28 = arith.constant 16 : index
      %swap3A_29 = tpu.vector_load %arg8[%swap3A_27, %swap3A_28] {strides = array<i32>} : memref<125x128xf32, #tpu.memory_space<vmem>>, vector<16xf32>,
      tpu.vector_store %arg8[%swap3A_27, %swap3A_28], %broadcast_in_dim3A_1 {strides = array<i32>} : memref<125x128xf32, #tpu.memory_space<vmem>>, vector<16xf32>,
      %swap3A_30 = arith.index_cast %scan3A_23 : i32 to index
      %swap3A_31 = arith.constant 32 : index
      %swap3A_32 = tpu.vector_load %arg8[%swap3A_30, %swap3A_31] {strides = array<i32>} : memref<125x128xf32, #tpu.memory_space<vmem>>, vector<16xf32>,
      tpu.vector_store %arg8[%swap3A_30, %swap3A_31], %broadcast_in_dim3A_1 {strides = array<i32>} : memref<125x128xf32, #tpu.memory_space<vmem>>, vector<16xf32>,
      %swap3A_33 = arith.index_cast %scan3A_23 : i32 to index
      %swap3A_34 = arith.constant 48 : index
      %swap3A_35 = tpu.vector_load %arg8[%swap3A_33, %swap3A_34] {strides = array<i32>} : memref<125x128xf32, #tpu.memory_space<vmem>>, vector<16xf32>,
      tpu.vector_store %arg8[%swap3A_33, %swap3A_34], %broadcast_in_dim3A_1 {strides = array<i32>} : memref<125x128xf32, #tpu.memory_space<vmem>>, vector<16xf32>,
      %swap3A_36 = arith.index_cast %scan3A_23 : i32 to index
      %swap3A_37 = arith.constant 64 : index
      %swap3A_38 = tpu.vector_load %arg8[%swap3A_36, %swap3A_37] {strides = array<i32>} : memref<125x128xf32, #tpu.memory_space<vmem>>, vector<16xf32>,
      tpu.vector_store %arg8[%swap3A_36, %swap3A_37], %broadcast_in_dim3A_1 {strides = array<i32>} : memref<125x128xf32, #tpu.memory_space<vmem>>, vector<16xf32>,
      %swap3A_39 = arith.index_cast %scan3A_23 : i32 to index
      %swap3A_40 = arith.constant 80 : index
      %swap3A_41 = tpu.vector_load %arg8[%swap3A_39, %swap3A_40] {strides = array<i32>} : memref<125x128xf32, #tpu.memory_space<vmem>>, vector<16xf32>,
      tpu.vector_store %arg8[%swap3A_39, %swap3A_40], %broadcast_in_dim3A_1 {strides = array<i32>} : memref<125x128xf32, #tpu.memory_space<vmem>>, vector<16xf32>,
      %swap3A_42 = arith.index_cast %scan3A_23 : i32 to index
      %swap3A_43 = arith.constant 96 : index
      %swap3A_44 = tpu.vector_load %arg8[%swap3A_42, %swap3A_43] {strides = array<i32>} : memref<125x128xf32, #tpu.memory_space<vmem>>, vector<16xf32>,
      tpu.vector_store %arg8[%swap3A_42, %swap3A_43], %broadcast_in_dim3A_1 {strides = array<i32>} : memref<125x128xf32, #tpu.memory_space<vmem>>, vector<16xf32>,
      %swap3A_45 = arith.index_cast %scan3A_23 : i32 to index
      %swap3A_46 = arith.constant 112 : index
      %swap3A_47 = tpu.vector_load %arg8[%swap3A_45, %swap3A_46] {strides = array<i32>} : memref<125x128xf32, #tpu.memory_space<vmem>>, vector<16xf32>,
      tpu.vector_store %arg8[%swap3A_45, %swap3A_46], %broadcast_in_dim3A_1 {strides = array<i32>} : memref<125x128xf32, #tpu.memory_space<vmem>>, vector<16xf32>,
      %scan3A_48 = arith.constant 0 : i32
      scf.yield %scan3A_48 : i32
    }
    %scan3A_7 = arith.constant 125 : i32
    %lt3A = arith.constant 10 : i32
    %lt3A_8 = arith.cmpi slt, %arg1, %lt3A : i32
    %convert_element_type3A = arith.extui %lt3A_8 : i1 to i32
    %cond3A = arith.constant 0 : i32
    %cond3A_9 = arith.cmpi ne, %convert_element_type3A, %cond3A : i32
    scf.if %cond3A_9 {
      %mul3A_23 = arith.constant 1000 : i32
      %mul3A_24 = arith.muli %arg1, %mul3A_23 : i32
      %add3A_25 = arith.constant 0 : i32
      %add3A_26 = arith.addi %mul3A_24, %add3A_25 : i32
      "tpu.region"() ({
        %run_scoped3A = tpu.sem_alloc : memref<!tpu.dma_semaphore, #tpu.memory_space<semaphore_mem>>
        %dma_start3A = arith.constant 0 : i32
        %dma_start3A_55 = tpu.memref_slice %arg9[%add3A_26, %dma_start3A] : memref<10000x128xf32, #tpu.memory_space<vmem_shared>> -> memref<125x128xf32, #tpu.memory_space<vmem_shared>>
        %dma_start3A_56 = arith.constant 0 : i32
        %dma_start3A_57 = tpu.memref_slice %arg9[%add3A_26, %dma_start3A_56] : memref<10000x128xf32, #tpu.memory_space<vmem_shared>> -> memref<125x128xf32, #tpu.memory_space<vmem_shared>>
        tpu.enqueue_dma source(%arg8 : memref<125x128xf32, #tpu.memory_space<vmem>>) target(%dma_start3A_57 : memref<125x128xf32, #tpu.memory_space<vmem_shared>>) target_semaphore(%run_scoped3A : memref<!tpu.dma_semaphore, #tpu.memory_space<semaphore_mem>>)
        %dma_wait3A = arith.constant 0 : i32
        %dma_wait3A_58 = tpu.memref_slice %arg9[%add3A_26, %dma_wait3A] : memref<10000x128xf32, #tpu.memory_space<vmem_shared>> -> memref<125x128xf32, #tpu.memory_space<vmem_shared>>
        %dma_wait3A_59 = arith.constant 0 : i32
        %dma_wait3A_60 = tpu.memref_slice %arg9[%add3A_26, %dma_wait3A_59] : memref<10000x128xf32, #tpu.memory_space<vmem_shared>> -> memref<125x128xf32, #tpu.memory_space<vmem_shared>>
        tpu.wait_dma2 semaphore(%run_scoped3A : memref<!tpu.dma_semaphore, #tpu.memory_space<semaphore_mem>>) src(%arg8 : memref<125x128xf32, #tpu.memory_space<vmem>>) dst(%dma_wait3A_60 : memref<125x128xf32, #tpu.memory_space<vmem_shared>>)
        tpu.yield
      }) : () -> ()
      %mul3A_27 = arith.constant 1000 : i32
      %mul3A_28 = arith.muli %arg1, %mul3A_27 : i32
      %add3A_29 = arith.constant 125 : i32
      %add3A_30 = arith.addi %mul3A_28, %add3A_29 : i32
      "tpu.region"() ({
        %run_scoped3A = tpu.sem_alloc : memref<!tpu.dma_semaphore, #tpu.memory_space<semaphore_mem>>
        %dma_start3A = arith.constant 0 : i32
        %dma_start3A_55 = tpu.memref_slice %arg9[%add3A_30, %dma_start3A] : memref<10000x128xf32, #tpu.memory_space<vmem_shared>> -> memref<125x128xf32, #tpu.memory_space<vmem_shared>>
        %dma_start3A_56 = arith.constant 0 : i32
        %dma_start3A_57 = tpu.memref_slice %arg9[%add3A_30, %dma_start3A_56] : memref<10000x128xf32, #tpu.memory_space<vmem_shared>> -> memref<125x128xf32, #tpu.memory_space<vmem_shared>>
        tpu.enqueue_dma source(%arg8 : memref<125x128xf32, #tpu.memory_space<vmem>>) target(%dma_start3A_57 : memref<125x128xf32, #tpu.memory_space<vmem_shared>>) target_semaphore(%run_scoped3A : memref<!tpu.dma_semaphore, #tpu.memory_space<semaphore_mem>>)
        %dma_wait3A = arith.constant 0 : i32
        %dma_wait3A_58 = tpu.memref_slice %arg9[%add3A_30, %dma_wait3A] : memref<10000x128xf32, #tpu.memory_space<vmem_shared>> -> memref<125x128xf32, #tpu.memory_space<vmem_shared>>
        %dma_wait3A_59 = arith.constant 0 : i32
        %dma_wait3A_60 = tpu.memref_slice %arg9[%add3A_30, %dma_wait3A_59] : memref<10000x128xf32, #tpu.memory_space<vmem_shared>> -> memref<125x128xf32, #tpu.memory_space<vmem_shared>>
        tpu.wait_dma2 semaphore(%run_scoped3A : memref<!tpu.dma_semaphore, #tpu.memory_space<semaphore_mem>>) src(%arg8 : memref<125x128xf32, #tpu.memory_space<vmem>>) dst(%dma_wait3A_60 : memref<125x128xf32, #tpu.memory_space<vmem_shared>>)
        tpu.yield
      }) : () -> ()
      %mul3A_31 = arith.constant 1000 : i32
      %mul3A_32 = arith.muli %arg1, %mul3A_31 : i32
      %add3A_33 = arith.constant 250 : i32
      %add3A_34 = arith.addi %mul3A_32, %add3A_33 : i32
      "tpu.region"() ({
        %run_scoped3A = tpu.sem_alloc : memref<!tpu.dma_semaphore, #tpu.memory_space<semaphore_mem>>
        %dma_start3A = arith.constant 0 : i32
        %dma_start3A_55 = tpu.memref_slice %arg9[%add3A_34, %dma_start3A] : memref<10000x128xf32, #tpu.memory_space<vmem_shared>> -> memref<125x128xf32, #tpu.memory_space<vmem_shared>>
        %dma_start3A_56 = arith.constant 0 : i32
        %dma_start3A_57 = tpu.memref_slice %arg9[%add3A_34, %dma_start3A_56] : memref<10000x128xf32, #tpu.memory_space<vmem_shared>> -> memref<125x128xf32, #tpu.memory_space<vmem_shared>>
        tpu.enqueue_dma source(%arg8 : memref<125x128xf32, #tpu.memory_space<vmem>>) target(%dma_start3A_57 : memref<125x128xf32, #tpu.memory_space<vmem_shared>>) target_semaphore(%run_scoped3A : memref<!tpu.dma_semaphore, #tpu.memory_space<semaphore_mem>>)
        %dma_wait3A = arith.constant 0 : i32
        %dma_wait3A_58 = tpu.memref_slice %arg9[%add3A_34, %dma_wait3A] : memref<10000x128xf32, #tpu.memory_space<vmem_shared>> -> memref<125x128xf32, #tpu.memory_space<vmem_shared>>
        %dma_wait3A_59 = arith.constant 0 : i32
        %dma_wait3A_60 = tpu.memref_slice %arg9[%add3A_34, %dma_wait3A_59] : memref<10000x128xf32, #tpu.memory_space<vmem_shared>> -> memref<125x128xf32, #tpu.memory_space<vmem_shared>>
        tpu.wait_dma2 semaphore(%run_scoped3A : memref<!tpu.dma_semaphore, #tpu.memory_space<semaphore_mem>>) src(%arg8 : memref<125x128xf32, #tpu.memory_space<vmem>>) dst(%dma_wait3A_60 : memref<125x128xf32, #tpu.memory_space<vmem_shared>>)
        tpu.yield
      }) : () -> ()
      %mul3A_35 = arith.constant 1000 : i32
      %mul3A_36 = arith.muli %arg1, %mul3A_35 : i32
      %add3A_37 = arith.constant 375 : i32
      %add3A_38 = arith.addi %mul3A_36, %add3A_37 : i32
      "tpu.region"() ({
        %run_scoped3A = tpu.sem_alloc : memref<!tpu.dma_semaphore, #tpu.memory_space<semaphore_mem>>
        %dma_start3A = arith.constant 0 : i32
        %dma_start3A_55 = tpu.memref_slice %arg9[%add3A_38, %dma_start3A] : memref<10000x128xf32, #tpu.memory_space<vmem_shared>> -> memref<125x128xf32, #tpu.memory_space<vmem_shared>>
        %dma_start3A_56 = arith.constant 0 : i32
        %dma_start3A_57 = tpu.memref_slice %arg9[%add3A_38, %dma_start3A_56] : memref<10000x128xf32, #tpu.memory_space<vmem_shared>> -> memref<125x128xf32, #tpu.memory_space<vmem_shared>>
        tpu.enqueue_dma source(%arg8 : memref<125x128xf32, #tpu.memory_space<vmem>>) target(%dma_start3A_57 : memref<125x128xf32, #tpu.memory_space<vmem_shared>>) target_semaphore(%run_scoped3A : memref<!tpu.dma_semaphore, #tpu.memory_space<semaphore_mem>>)
        %dma_wait3A = arith.constant 0 : i32
        %dma_wait3A_58 = tpu.memref_slice %arg9[%add3A_38, %dma_wait3A] : memref<10000x128xf32, #tpu.memory_space<vmem_shared>> -> memref<125x128xf32, #tpu.memory_space<vmem_shared>>
        %dma_wait3A_59 = arith.constant 0 : i32
        %dma_wait3A_60 = tpu.memref_slice %arg9[%add3A_38, %dma_wait3A_59] : memref<10000x128xf32, #tpu.memory_space<vmem_shared>> -> memref<125x128xf32, #tpu.memory_space<vmem_shared>>
        tpu.wait_dma2 semaphore(%run_scoped3A : memref<!tpu.dma_semaphore, #tpu.memory_space<semaphore_mem>>) src(%arg8 : memref<125x128xf32, #tpu.memory_space<vmem>>) dst(%dma_wait3A_60 : memref<125x128xf32, #tpu.memory_space<vmem_shared>>)
        tpu.yield
      }) : () -> ()
      %mul3A_39 = arith.constant 1000 : i32
      %mul3A_40 = arith.muli %arg1, %mul3A_39 : i32
      %add3A_41 = arith.constant 500 : i32
      %add3A_42 = arith.addi %mul3A_40, %add3A_41 : i32
      "tpu.region"() ({
        %run_scoped3A = tpu.sem_alloc : memref<!tpu.dma_semaphore, #tpu.memory_space<semaphore_mem>>
        %dma_start3A = arith.constant 0 : i32
        %dma_start3A_55 = tpu.memref_slice %arg9[%add3A_42, %dma_start3A] : memref<10000x128xf32, #tpu.memory_space<vmem_shared>> -> memref<125x128xf32, #tpu.memory_space<vmem_shared>>
        %dma_start3A_56 = arith.constant 0 : i32
        %dma_start3A_57 = tpu.memref_slice %arg9[%add3A_42, %dma_start3A_56] : memref<10000x128xf32, #tpu.memory_space<vmem_shared>> -> memref<125x128xf32, #tpu.memory_space<vmem_shared>>
        tpu.enqueue_dma source(%arg8 : memref<125x128xf32, #tpu.memory_space<vmem>>) target(%dma_start3A_57 : memref<125x128xf32, #tpu.memory_space<vmem_shared>>) target_semaphore(%run_scoped3A : memref<!tpu.dma_semaphore, #tpu.memory_space<semaphore_mem>>)
        %dma_wait3A = arith.constant 0 : i32
        %dma_wait3A_58 = tpu.memref_slice %arg9[%add3A_42, %dma_wait3A] : memref<10000x128xf32, #tpu.memory_space<vmem_shared>> -> memref<125x128xf32, #tpu.memory_space<vmem_shared>>
        %dma_wait3A_59 = arith.constant 0 : i32
        %dma_wait3A_60 = tpu.memref_slice %arg9[%add3A_42, %dma_wait3A_59] : memref<10000x128xf32, #tpu.memory_space<vmem_shared>> -> memref<125x128xf32, #tpu.memory_space<vmem_shared>>
        tpu.wait_dma2 semaphore(%run_scoped3A : memref<!tpu.dma_semaphore, #tpu.memory_space<semaphore_mem>>) src(%arg8 : memref<125x128xf32, #tpu.memory_space<vmem>>) dst(%dma_wait3A_60 : memref<125x128xf32, #tpu.memory_space<vmem_shared>>)
        tpu.yield
      }) : () -> ()
      %mul3A_43 = arith.constant 1000 : i32
      %mul3A_44 = arith.muli %arg1, %mul3A_43 : i32
      %add3A_45 = arith.constant 625 : i32
      %add3A_46 = arith.addi %mul3A_44, %add3A_45 : i32
      "tpu.region"() ({
        %run_scoped3A = tpu.sem_alloc : memref<!tpu.dma_semaphore, #tpu.memory_space<semaphore_mem>>
        %dma_start3A = arith.constant 0 : i32
        %dma_start3A_55 = tpu.memref_slice %arg9[%add3A_46, %dma_start3A] : memref<10000x128xf32, #tpu.memory_space<vmem_shared>> -> memref<125x128xf32, #tpu.memory_space<vmem_shared>>
        %dma_start3A_56 = arith.constant 0 : i32
        %dma_start3A_57 = tpu.memref_slice %arg9[%add3A_46, %dma_start3A_56] : memref<10000x128xf32, #tpu.memory_space<vmem_shared>> -> memref<125x128xf32, #tpu.memory_space<vmem_shared>>
        tpu.enqueue_dma source(%arg8 : memref<125x128xf32, #tpu.memory_space<vmem>>) target(%dma_start3A_57 : memref<125x128xf32, #tpu.memory_space<vmem_shared>>) target_semaphore(%run_scoped3A : memref<!tpu.dma_semaphore, #tpu.memory_space<semaphore_mem>>)
        %dma_wait3A = arith.constant 0 : i32
        %dma_wait3A_58 = tpu.memref_slice %arg9[%add3A_46, %dma_wait3A] : memref<10000x128xf32, #tpu.memory_space<vmem_shared>> -> memref<125x128xf32, #tpu.memory_space<vmem_shared>>
        %dma_wait3A_59 = arith.constant 0 : i32
        %dma_wait3A_60 = tpu.memref_slice %arg9[%add3A_46, %dma_wait3A_59] : memref<10000x128xf32, #tpu.memory_space<vmem_shared>> -> memref<125x128xf32, #tpu.memory_space<vmem_shared>>
        tpu.wait_dma2 semaphore(%run_scoped3A : memref<!tpu.dma_semaphore, #tpu.memory_space<semaphore_mem>>) src(%arg8 : memref<125x128xf32, #tpu.memory_space<vmem>>) dst(%dma_wait3A_60 : memref<125x128xf32, #tpu.memory_space<vmem_shared>>)
        tpu.yield
      }) : () -> ()
      %mul3A_47 = arith.constant 1000 : i32
      %mul3A_48 = arith.muli %arg1, %mul3A_47 : i32
      %add3A_49 = arith.constant 750 : i32
      %add3A_50 = arith.addi %mul3A_48, %add3A_49 : i32
      "tpu.region"() ({
        %run_scoped3A = tpu.sem_alloc : memref<!tpu.dma_semaphore, #tpu.memory_space<semaphore_mem>>
        %dma_start3A = arith.constant 0 : i32
        %dma_start3A_55 = tpu.memref_slice %arg9[%add3A_50, %dma_start3A] : memref<10000x128xf32, #tpu.memory_space<vmem_shared>> -> memref<125x128xf32, #tpu.memory_space<vmem_shared>>
        %dma_start3A_56 = arith.constant 0 : i32
        %dma_start3A_57 = tpu.memref_slice %arg9[%add3A_50, %dma_start3A_56] : memref<10000x128xf32, #tpu.memory_space<vmem_shared>> -> memref<125x128xf32, #tpu.memory_space<vmem_shared>>
        tpu.enqueue_dma source(%arg8 : memref<125x128xf32, #tpu.memory_space<vmem>>) target(%dma_start3A_57 : memref<125x128xf32, #tpu.memory_space<vmem_shared>>) target_semaphore(%run_scoped3A : memref<!tpu.dma_semaphore, #tpu.memory_space<semaphore_mem>>)
        %dma_wait3A = arith.constant 0 : i32
        %dma_wait3A_58 = tpu.memref_slice %arg9[%add3A_50, %dma_wait3A] : memref<10000x128xf32, #tpu.memory_space<vmem_shared>> -> memref<125x128xf32, #tpu.memory_space<vmem_shared>>
        %dma_wait3A_59 = arith.constant 0 : i32
        %dma_wait3A_60 = tpu.memref_slice %arg9[%add3A_50, %dma_wait3A_59] : memref<10000x128xf32, #tpu.memory_space<vmem_shared>> -> memref<125x128xf32, #tpu.memory_space<vmem_shared>>
        tpu.wait_dma2 semaphore(%run_scoped3A : memref<!tpu.dma_semaphore, #tpu.memory_space<semaphore_mem>>) src(%arg8 : memref<125x128xf32, #tpu.memory_space<vmem>>) dst(%dma_wait3A_60 : memref<125x128xf32, #tpu.memory_space<vmem_shared>>)
        tpu.yield
      }) : () -> ()
      %mul3A_51 = arith.constant 1000 : i32
      %mul3A_52 = arith.muli %arg1, %mul3A_51 : i32
      %add3A_53 = arith.constant 875 : i32
      %add3A_54 = arith.addi %mul3A_52, %add3A_53 : i32
      "tpu.region"() ({
        %run_scoped3A = tpu.sem_alloc : memref<!tpu.dma_semaphore, #tpu.memory_space<semaphore_mem>>
        %dma_start3A = arith.constant 0 : i32
        %dma_start3A_55 = tpu.memref_slice %arg9[%add3A_54, %dma_start3A] : memref<10000x128xf32, #tpu.memory_space<vmem_shared>> -> memref<125x128xf32, #tpu.memory_space<vmem_shared>>
        %dma_start3A_56 = arith.constant 0 : i32
        %dma_start3A_57 = tpu.memref_slice %arg9[%add3A_54, %dma_start3A_56] : memref<10000x128xf32, #tpu.memory_space<vmem_shared>> -> memref<125x128xf32, #tpu.memory_space<vmem_shared>>
        tpu.enqueue_dma source(%arg8 : memref<125x128xf32, #tpu.memory_space<vmem>>) target(%dma_start3A_57 : memref<125x128xf32, #tpu.memory_space<vmem_shared>>) target_semaphore(%run_scoped3A : memref<!tpu.dma_semaphore, #tpu.memory_space<semaphore_mem>>)
        %dma_wait3A = arith.constant 0 : i32
        %dma_wait3A_58 = tpu.memref_slice %arg9[%add3A_54, %dma_wait3A] : memref<10000x128xf32, #tpu.memory_space<vmem_shared>> -> memref<125x128xf32, #tpu.memory_space<vmem_shared>>
        %dma_wait3A_59 = arith.constant 0 : i32
        %dma_wait3A_60 = tpu.memref_slice %arg9[%add3A_54, %dma_wait3A_59] : memref<10000x128xf32, #tpu.memory_space<vmem_shared>> -> memref<125x128xf32, #tpu.memory_space<vmem_shared>>
        tpu.wait_dma2 semaphore(%run_scoped3A : memref<!tpu.dma_semaphore, #tpu.memory_space<semaphore_mem>>) src(%arg8 : memref<125x128xf32, #tpu.memory_space<vmem>>) dst(%dma_wait3A_60 : memref<125x128xf32, #tpu.memory_space<vmem_shared>>)
        tpu.yield
      }) : () -> ()
    } else {
    }
    "tpu.region"() ({
      %run_scoped3A = tpu.sem_alloc : memref<!tpu.dma_semaphore, #tpu.memory_space<semaphore_mem>>
      %dma_start3A = arith.constant 0 : i32
      %dma_start3A_23 = arith.constant 0 : i32
      %dma_start3A_24 = tpu.memref_slice %arg3[%add3A, %dma_start3A, %dma_start3A_23] : memref<32x40x125xi32, #tpu.memory_space<hbm>> -> memref<1x40x125xi32, #tpu.memory_space<hbm>>
      %dma_start3A_25 = tpu.memref_squeeze %dma_start3A_24 : memref<1x40x125xi32, #tpu.memory_space<hbm>> -> memref<40x125xi32, #tpu.memory_space<hbm>>
      %dma_start3A_26 = arith.constant 0 : i32
      %dma_start3A_27 = arith.constant 0 : i32
      %dma_start3A_28 = tpu.memref_slice %arg3[%add3A, %dma_start3A_26, %dma_start3A_27] : memref<32x40x125xi32, #tpu.memory_space<hbm>> -> memref<1x40x125xi32, #tpu.memory_space<hbm>>
      %dma_start3A_29 = tpu.memref_squeeze %dma_start3A_28 : memref<1x40x125xi32, #tpu.memory_space<hbm>> -> memref<40x125xi32, #tpu.memory_space<hbm>>
      tpu.enqueue_dma source(%dma_start3A_29 : memref<40x125xi32, #tpu.memory_space<hbm>>) target(%arg6 : memref<40x125xi32, #tpu.memory_space<vmem>>) target_semaphore(%run_scoped3A : memref<!tpu.dma_semaphore, #tpu.memory_space<semaphore_mem>>)
      %dma_wait3A = arith.constant 0 : i32
      %dma_wait3A_30 = arith.constant 0 : i32
      %dma_wait3A_31 = tpu.memref_slice %arg3[%add3A, %dma_wait3A, %dma_wait3A_30] : memref<32x40x125xi32, #tpu.memory_space<hbm>> -> memref<1x40x125xi32, #tpu.memory_space<hbm>>
      %dma_wait3A_32 = tpu.memref_squeeze %dma_wait3A_31 : memref<1x40x125xi32, #tpu.memory_space<hbm>> -> memref<40x125xi32, #tpu.memory_space<hbm>>
      %dma_wait3A_33 = arith.constant 0 : i32
      %dma_wait3A_34 = arith.constant 0 : i32
      %dma_wait3A_35 = tpu.memref_slice %arg3[%add3A, %dma_wait3A_33, %dma_wait3A_34] : memref<32x40x125xi32, #tpu.memory_space<hbm>> -> memref<1x40x125xi32, #tpu.memory_space<hbm>>
      %dma_wait3A_36 = tpu.memref_squeeze %dma_wait3A_35 : memref<1x40x125xi32, #tpu.memory_space<hbm>> -> memref<40x125xi32, #tpu.memory_space<hbm>>
      tpu.wait_dma2 semaphore(%run_scoped3A : memref<!tpu.dma_semaphore, #tpu.memory_space<semaphore_mem>>) src(%dma_wait3A_36 : memref<40x125xi32, #tpu.memory_space<hbm>>) dst(%arg6 : memref<40x125xi32, #tpu.memory_space<vmem>>)
      tpu.yield
    }) : () -> ()
    "tpu.region"() ({
      %run_scoped3A = tpu.sem_alloc : memref<!tpu.dma_semaphore, #tpu.memory_space<semaphore_mem>>
      %dma_start3A = arith.constant 0 : i32
      %dma_start3A_23 = arith.constant 0 : i32
      %dma_start3A_24 = tpu.memref_slice %arg4[%add3A, %dma_start3A, %dma_start3A_23] : memref<32x40x125xi32, #tpu.memory_space<hbm>> -> memref<1x40x125xi32, #tpu.memory_space<hbm>>
      %dma_start3A_25 = tpu.memref_squeeze %dma_start3A_24 : memref<1x40x125xi32, #tpu.memory_space<hbm>> -> memref<40x125xi32, #tpu.memory_space<hbm>>
      %dma_start3A_26 = arith.constant 0 : i32
      %dma_start3A_27 = arith.constant 0 : i32
      %dma_start3A_28 = tpu.memref_slice %arg4[%add3A, %dma_start3A_26, %dma_start3A_27] : memref<32x40x125xi32, #tpu.memory_space<hbm>> -> memref<1x40x125xi32, #tpu.memory_space<hbm>>
      %dma_start3A_29 = tpu.memref_squeeze %dma_start3A_28 : memref<1x40x125xi32, #tpu.memory_space<hbm>> -> memref<40x125xi32, #tpu.memory_space<hbm>>
      tpu.enqueue_dma source(%dma_start3A_29 : memref<40x125xi32, #tpu.memory_space<hbm>>) target(%arg7 : memref<40x125xi32, #tpu.memory_space<vmem>>) target_semaphore(%run_scoped3A : memref<!tpu.dma_semaphore, #tpu.memory_space<semaphore_mem>>)
      %dma_wait3A = arith.constant 0 : i32
      %dma_wait3A_30 = arith.constant 0 : i32
      %dma_wait3A_31 = tpu.memref_slice %arg4[%add3A, %dma_wait3A, %dma_wait3A_30] : memref<32x40x125xi32, #tpu.memory_space<hbm>> -> memref<1x40x125xi32, #tpu.memory_space<hbm>>
      %dma_wait3A_32 = tpu.memref_squeeze %dma_wait3A_31 : memref<1x40x125xi32, #tpu.memory_space<hbm>> -> memref<40x125xi32, #tpu.memory_space<hbm>>
      %dma_wait3A_33 = arith.constant 0 : i32
      %dma_wait3A_34 = arith.constant 0 : i32
      %dma_wait3A_35 = tpu.memref_slice %arg4[%add3A, %dma_wait3A_33, %dma_wait3A_34] : memref<32x40x125xi32, #tpu.memory_space<hbm>> -> memref<1x40x125xi32, #tpu.memory_space<hbm>>
      %dma_wait3A_36 = tpu.memref_squeeze %dma_wait3A_35 : memref<1x40x125xi32, #tpu.memory_space<hbm>> -> memref<40x125xi32, #tpu.memory_space<hbm>>
      tpu.wait_dma2 semaphore(%run_scoped3A : memref<!tpu.dma_semaphore, #tpu.memory_space<semaphore_mem>>) src(%dma_wait3A_36 : memref<40x125xi32, #tpu.memory_space<hbm>>) dst(%arg7 : memref<40x125xi32, #tpu.memory_space<vmem>>)
      tpu.yield
    }) : () -> ()
    %barrier3A = arith.constant 0 : index
    tpu.barrier barrier_id(%barrier3A)
    %scan3A_10 = arith.constant 0 : i32
    %scan3A_11 = arith.constant 0 : i32
    %scan3A_12 = arith.constant 40 : i32
    %scan3A_13 = arith.addi %scan3A_11, %scan3A_12 : i32
    %scan3A_14 = arith.constant 1 : i32
    %scan3A_15 = scf.for %scan3A_23 = %scan3A_11 to %scan3A_13 step %scan3A_14 iter_args(%scan3A_24 = %scan3A_10) -> (i32)  : i32 {
      %dma_start3A = arith.constant 0 : i32
      %dma_start3A_25 = tpu.memref_slice %arg6[%scan3A_23, %dma_start3A] : memref<40x125xi32, #tpu.memory_space<vmem>> -> memref<1x125xi32, #tpu.memory_space<vmem>>
      %dma_start3A_26 = tpu.memref_squeeze %dma_start3A_25 : memref<1x125xi32, #tpu.memory_space<vmem>> -> memref<125xi32, #tpu.memory_space<vmem>>
      %dma_start3A_27 = arith.constant 0 : i32
      %dma_start3A_28 = arith.constant 0 : i32
      %dma_start3A_29 = tpu.memref_slice %arg2[%dma_start3A_27, %dma_start3A_28] : memref<10000x128xf32, #tpu.memory_space<hbm>> -> memref<10000x128xf32, #tpu.memory_space<hbm>>
      tpu.enqueue_indirect_dma source(%dma_start3A_29 : memref<10000x128xf32, #tpu.memory_space<hbm>>) target(%arg8 : memref<125x128xf32, #tpu.memory_space<vmem>>) offsets(%dma_start3A_26 : memref<125xi32, #tpu.memory_space<vmem>>) semaphore(%arg10 : memref<!tpu.dma_semaphore, #tpu.memory_space<semaphore_mem>>)
      %dma_wait3A = arith.constant 0 : i32
      %dma_wait3A_30 = tpu.memref_slice %arg6[%scan3A_23, %dma_wait3A] : memref<40x125xi32, #tpu.memory_space<vmem>> -> memref<1x125xi32, #tpu.memory_space<vmem>>
      %dma_wait3A_31 = tpu.memref_squeeze %dma_wait3A_30 : memref<1x125xi32, #tpu.memory_space<vmem>> -> memref<125xi32, #tpu.memory_space<vmem>>
      %dma_wait3A_32 = arith.constant 0 : i32
      %dma_wait3A_33 = arith.constant 0 : i32
      %dma_wait3A_34 = tpu.memref_slice %arg2[%dma_wait3A_32, %dma_wait3A_33] : memref<10000x128xf32, #tpu.memory_space<hbm>> -> memref<10000x128xf32, #tpu.memory_space<hbm>>
      tpu.wait_indirect_dma semaphore(%arg10 : memref<!tpu.dma_semaphore, #tpu.memory_space<semaphore_mem>>) src(%dma_wait3A_34 : memref<10000x128xf32, #tpu.memory_space<hbm>>) dst(%arg8 : memref<125x128xf32, #tpu.memory_space<vmem>>)
      "tpu.region"() ({
        %run_scoped3A = tpu.sem_alloc : memref<!tpu.dma_semaphore, #tpu.memory_space<semaphore_mem>>
        %dma_start3A_36 = arith.constant 0 : i32
        %dma_start3A_37 = tpu.memref_slice %arg7[%scan3A_23, %dma_start3A_36] : memref<40x125xi32, #tpu.memory_space<vmem>> -> memref<1x125xi32, #tpu.memory_space<vmem>>
        %dma_start3A_38 = tpu.memref_squeeze %dma_start3A_37 : memref<1x125xi32, #tpu.memory_space<vmem>> -> memref<125xi32, #tpu.memory_space<vmem>>
        %dma_start3A_39 = arith.constant 0 : i32
        %dma_start3A_40 = arith.constant 0 : i32
        %dma_start3A_41 = tpu.memref_slice %arg9[%dma_start3A_39, %dma_start3A_40] : memref<10000x128xf32, #tpu.memory_space<vmem_shared>> -> memref<10000x128xf32, #tpu.memory_space<vmem_shared>>
        tpu.enqueue_indirect_dma source(%arg8 : memref<125x128xf32, #tpu.memory_space<vmem>>) target(%dma_start3A_41 : memref<10000x128xf32, #tpu.memory_space<vmem_shared>>) offsets(%dma_start3A_38 : memref<125xi32, #tpu.memory_space<vmem>>) semaphore(%run_scoped3A : memref<!tpu.dma_semaphore, #tpu.memory_space<semaphore_mem>>) {add = true}
        %dma_wait3A_42 = arith.constant 0 : i32
        %dma_wait3A_43 = tpu.memref_slice %arg7[%scan3A_23, %dma_wait3A_42] : memref<40x125xi32, #tpu.memory_space<vmem>> -> memref<1x125xi32, #tpu.memory_space<vmem>>
        %dma_wait3A_44 = tpu.memref_squeeze %dma_wait3A_43 : memref<1x125xi32, #tpu.memory_space<vmem>> -> memref<125xi32, #tpu.memory_space<vmem>>
        %dma_wait3A_45 = arith.constant 0 : i32
        %dma_wait3A_46 = arith.constant 0 : i32
        %dma_wait3A_47 = tpu.memref_slice %arg9[%dma_wait3A_45, %dma_wait3A_46] : memref<10000x128xf32, #tpu.memory_space<vmem_shared>> -> memref<10000x128xf32, #tpu.memory_space<vmem_shared>>
        tpu.wait_indirect_dma semaphore(%run_scoped3A : memref<!tpu.dma_semaphore, #tpu.memory_space<semaphore_mem>>) src(%arg8 : memref<125x128xf32, #tpu.memory_space<vmem>>) dst(%dma_wait3A_47 : memref<10000x128xf32, #tpu.memory_space<vmem_shared>>)
        tpu.yield
      }) : () -> ()
      %scan3A_35 = arith.constant 0 : i32
      scf.yield %scan3A_35 : i32
    }
    %scan3A_16 = arith.constant 40 : i32
    %barrier3A_17 = arith.constant 0 : index
    tpu.barrier barrier_id(%barrier3A_17)
    %lt3A_18 = arith.constant 10 : i32
    %lt3A_19 = arith.cmpi slt, %arg1, %lt3A_18 : i32
    %convert_element_type3A_20 = arith.extui %lt3A_19 : i1 to i32
    %cond3A_21 = arith.constant 0 : i32
    %cond3A_22 = arith.cmpi ne, %convert_element_type3A_20, %cond3A_21 : i32
    scf.if %cond3A_22 {
      %mul3A_23 = arith.constant 1000 : i32
      %mul3A_24 = arith.muli %arg1, %mul3A_23 : i32
      %mul3A_25 = arith.constant 1000 : i32
      %mul3A_26 = arith.muli %arg1, %mul3A_25 : i32
      "tpu.region"() ({
        %run_scoped3A = tpu.sem_alloc : memref<!tpu.dma_semaphore, #tpu.memory_space<semaphore_mem>>
        %dma_start3A = arith.constant 0 : i32
        %dma_start3A_27 = tpu.memref_slice %arg5[%arg0, %mul3A_26, %dma_start3A] : memref<2x10000x128xf32, #tpu.memory_space<hbm>> -> memref<1x1000x128xf32, #tpu.memory_space<hbm>>
        %dma_start3A_28 = tpu.memref_squeeze %dma_start3A_27 : memref<1x1000x128xf32, #tpu.memory_space<hbm>> -> memref<1000x128xf32, #tpu.memory_space<hbm>>
        %dma_start3A_29 = arith.constant 0 : i32
        %dma_start3A_30 = tpu.memref_slice %arg9[%mul3A_24, %dma_start3A_29] : memref<10000x128xf32, #tpu.memory_space<vmem_shared>> -> memref<1000x128xf32, #tpu.memory_space<vmem_shared>>
        tpu.enqueue_dma source(%dma_start3A_30 : memref<1000x128xf32, #tpu.memory_space<vmem_shared>>) target(%dma_start3A_28 : memref<1000x128xf32, #tpu.memory_space<hbm>>) target_semaphore(%run_scoped3A : memref<!tpu.dma_semaphore, #tpu.memory_space<semaphore_mem>>)
        %dma_wait3A = arith.constant 0 : i32
        %dma_wait3A_31 = tpu.memref_slice %arg5[%arg0, %mul3A_26, %dma_wait3A] : memref<2x10000x128xf32, #tpu.memory_space<hbm>> -> memref<1x1000x128xf32, #tpu.memory_space<hbm>>
        %dma_wait3A_32 = tpu.memref_squeeze %dma_wait3A_31 : memref<1x1000x128xf32, #tpu.memory_space<hbm>> -> memref<1000x128xf32, #tpu.memory_space<hbm>>
        %dma_wait3A_33 = arith.constant 0 : i32
        %dma_wait3A_34 = tpu.memref_slice %arg9[%mul3A_24, %dma_wait3A_33] : memref<10000x128xf32, #tpu.memory_space<vmem_shared>> -> memref<1000x128xf32, #tpu.memory_space<vmem_shared>>
        tpu.wait_dma2 semaphore(%run_scoped3A : memref<!tpu.dma_semaphore, #tpu.memory_space<semaphore_mem>>) src(%dma_wait3A_34 : memref<1000x128xf32, #tpu.memory_space<vmem_shared>>) dst(%dma_wait3A_32 : memref<1000x128xf32, #tpu.memory_space<hbm>>)
        tpu.yield
      }) : () -> ()
    } else {
    }
    return
  }
}

module attributes {stable_mosaic.version = 14 : i64} {
  func.func @_dinv_body(%arg0: memref<32x10000xf32, #tpu.memory_space<vmem>>, %arg1: memref<10000x1xf32, #tpu.memory_space<vmem>>) attributes {dimension_semantics = [], scalar_prefetch = 0 : i64, scratch_operands = 0 : i64, tpu.core_type = #tpu.core_type<tc>} {
    %get3A = arith.constant 0 : index
    %get3A_0 = arith.constant 0 : index
    %get3A_1 = vector.load %arg0[%get3A, %get3A_0] : memref<32x10000xf32, #tpu.memory_space<vmem>>, vector<32x10000xf32>
    %reduce_sum3A = arith.constant dense<0.000000e+00> : vector<10000xf32>
    %reduce_sum3A_2 = vector.multi_reduction <add>, %get3A_1, %reduce_sum3A [0] : vector<32x10000xf32> to vector<10000xf32>
    %add3A = arith.constant 1.000000e+00 : f32
    %add3A_3 = vector.broadcast %add3A : f32 to vector<10000xf32>
    %add3A_4 = arith.addf %reduce_sum3A_2, %add3A_3 : vector<10000xf32>
    %rsqrt3A = math.rsqrt %add3A_4 : vector<10000xf32>
    %broadcast_in_dim3A = vector.shape_cast %rsqrt3A : vector<10000xf32> to vector<10000x1xf32>
    %swap3A = arith.constant 0 : index
    %swap3A_5 = arith.constant 0 : index
    %swap3A_6 = vector.load %arg1[%swap3A, %swap3A_5] : memref<10000x1xf32, #tpu.memory_space<vmem>>, vector<10000x1xf32>
    tpu.vector_store %arg1[%swap3A, %swap3A_5], %broadcast_in_dim3A {strides = array<i32>} : memref<10000x1xf32, #tpu.memory_space<vmem>>, vector<10000x1xf32>,
    return
  }
}

module attributes {stable_mosaic.version = 14 : i64} {
  func.func @_u_body(%arg0: i32, %arg1: memref<1000x128xf32, #tpu.memory_space<vmem>>, %arg2: memref<128x128xf32, #tpu.memory_space<vmem>>, %arg3: memref<1000x1xf32, #tpu.memory_space<vmem>>, %arg4: memref<1000x128xf32, #tpu.memory_space<vmem>>) attributes {dimension_semantics = [#tpu.dimension_semantics<arbitrary>], iteration_bounds = array<i64: 10>, scalar_prefetch = 0 : i64, scratch_operands = 0 : i64, tpu.core_type = #tpu.core_type<tc>, window_params = [{transform_indices = @transform_0, window_bounds = array<i64: 1000, 128>}, {pipeline_mode = #tpu.pipeline_mode<synchronous>, transform_indices = @transform_1, window_bounds = array<i64: 128, 128>}, {transform_indices = @transform_2, window_bounds = array<i64: 1000, 1>}, {transform_indices = @transform_3, window_bounds = array<i64: 1000, 128>}]} {
    %get3A = arith.constant 0 : index
    %get3A_0 = arith.constant 0 : index
    %get3A_1 = vector.load %arg1[%get3A, %get3A_0] : memref<1000x128xf32, #tpu.memory_space<vmem>>, vector<1000x128xf32>
    %get3A_2 = arith.constant 0 : index
    %get3A_3 = arith.constant 0 : index
    %get3A_4 = vector.load %arg2[%get3A_2, %get3A_3] : memref<128x128xf32, #tpu.memory_space<vmem>>, vector<128x128xf32>
    %dot_general3A = arith.constant dense<0.000000e+00> : vector<1000x128xf32>
    %dot_general3A_5 = tpu.matmul %get3A_1, %get3A_4, %dot_general3A {dimension_numbers = #tpu.dot_dimension_numbers<[1], [0], [0], [1], [0, 0, 1, 1], [], []>, transpose_lhs_hint = false} : vector<1000x128xf32>, vector<128x128xf32>, vector<1000x128xf32> -> vector<1000x128xf32>
    %get3A_6 = arith.constant 0 : index
    %get3A_7 = arith.constant 0 : index
    %get3A_8 = vector.load %arg3[%get3A_6, %get3A_7] : memref<1000x1xf32, #tpu.memory_space<vmem>>, vector<1000x1xf32>
    %mul3A = vector.broadcast %get3A_8 : vector<1000x1xf32> to vector<1000x128xf32>
    %mul3A_9 = arith.mulf %dot_general3A_5, %mul3A : vector<1000x128xf32>
    %swap3A = arith.constant 0 : index
    %swap3A_10 = arith.constant 0 : index
    %swap3A_11 = vector.load %arg4[%swap3A, %swap3A_10] : memref<1000x128xf32, #tpu.memory_space<vmem>>, vector<1000x128xf32>
    tpu.vector_store %arg4[%swap3A, %swap3A_10], %mul3A_9 {strides = array<i32>} : memref<1000x128xf32, #tpu.memory_space<vmem>>, vector<1000x128xf32>,
    return
  }
  func.func @transform_0(%arg0: i32) -> (i32, i32) {
    %c0_i32 = arith.constant 0 : i32
    %c0_i32_0 = arith.constant 0 : i32
    return %arg0, %c0_i32 : i32, i32
  }
  func.func @transform_1(%arg0: i32) -> (i32, i32) {
    %c0_i32 = arith.constant 0 : i32
    %c0_i32_0 = arith.constant 0 : i32
    %c0_i32_1 = arith.constant 0 : i32
    return %c0_i32, %c0_i32_0 : i32, i32
  }
  func.func @transform_2(%arg0: i32) -> (i32, i32) {
    %c0_i32 = arith.constant 0 : i32
    %c0_i32_0 = arith.constant 0 : i32
    return %arg0, %c0_i32 : i32, i32
  }
  func.func @transform_3(%arg0: i32) -> (i32, i32) {
    %c0_i32 = arith.constant 0 : i32
    %c0_i32_0 = arith.constant 0 : i32
    return %arg0, %c0_i32 : i32, i32
  }
}

module attributes {stable_mosaic.version = 14 : i64} {
  func.func @_rowsum_body(%arg0: i32, %arg1: memref<200x10000xf32, #tpu.memory_space<vmem>>, %arg2: memref<200x1xf32, #tpu.memory_space<vmem>>, %arg3: memref<1x1xf32, #tpu.memory_space<vmem>>) attributes {dimension_semantics = [#tpu.dimension_semantics<arbitrary>], iteration_bounds = array<i64: 50>, scalar_prefetch = 0 : i64, scratch_operands = 0 : i64, tpu.core_type = #tpu.core_type<tc>, window_params = [{transform_indices = @transform_0, window_bounds = array<i64: 200, 10000>}, {transform_indices = @transform_1, window_bounds = array<i64: 200, 1>}, {pipeline_mode = #tpu.pipeline_mode<synchronous>, transform_indices = @transform_2, window_bounds = array<i64: 1, 1>}]} {
    %get3A = arith.constant 0 : index
    %get3A_0 = arith.constant 0 : index
    %get3A_1 = vector.load %arg1[%get3A, %get3A_0] : memref<200x10000xf32, #tpu.memory_space<vmem>>, vector<200x10000xf32>
    %reduce_sum3A = arith.constant dense<0.000000e+00> : vector<200xf32>
    %reduce_sum3A_2 = vector.multi_reduction <add>, %get3A_1, %reduce_sum3A [1] : vector<200x10000xf32> to vector<200xf32>
    %broadcast_in_dim3A = vector.shape_cast %reduce_sum3A_2 : vector<200xf32> to vector<200x1xf32>
    %swap3A = arith.constant 0 : index
    %swap3A_3 = arith.constant 0 : index
    %swap3A_4 = vector.load %arg2[%swap3A, %swap3A_3] : memref<200x1xf32, #tpu.memory_space<vmem>>, vector<200x1xf32>
    tpu.vector_store %arg2[%swap3A, %swap3A_3], %broadcast_in_dim3A {strides = array<i32>} : memref<200x1xf32, #tpu.memory_space<vmem>>, vector<200x1xf32>,
    %reduce_sum3A_5 = vector.shape_cast %broadcast_in_dim3A : vector<200x1xf32> to vector<1x200x1xf32>
    %reduce_sum3A_6 = arith.constant dense<0.000000e+00> : vector<1xf32>
    %reduce_sum3A_7 = vector.multi_reduction <add>, %reduce_sum3A_5, %reduce_sum3A_6 [1, 2] : vector<1x200x1xf32> to vector<1xf32>
    %reduce_sum3A_8 = vector.shape_cast %reduce_sum3A_7 : vector<1xf32> to vector<1x1x1xf32>
    %reduce_sum3A_9 = vector.extract %reduce_sum3A_8[0, 0, 0] : f32 from vector<1x1x1xf32>
    %reshape3A = vector.broadcast %reduce_sum3A_9 : f32 to vector<1x1xf32>
    %eq3A = arith.constant 0 : i32
    %eq3A_10 = arith.cmpi eq, %arg0, %eq3A : i32
    %convert_element_type3A = arith.extui %eq3A_10 : i1 to i32
    %cond3A = arith.constant 0 : i32
    %cond3A_11 = arith.cmpi ne, %convert_element_type3A, %cond3A : i32
    scf.if %cond3A_11 {
      %swap3A_16 = arith.constant 0 : index
      %swap3A_17 = arith.constant 0 : index
      %swap3A_18 = vector.load %arg3[%swap3A_16, %swap3A_17] : memref<1x1xf32, #tpu.memory_space<vmem>>, vector<1x1xf32>
      tpu.vector_store %arg3[%swap3A_16, %swap3A_17], %reshape3A {strides = array<i32>} : memref<1x1xf32, #tpu.memory_space<vmem>>, vector<1x1xf32>,
    } else {
    }
    %gt3A = arith.constant 0 : i32
    %gt3A_12 = arith.cmpi sgt, %arg0, %gt3A : i32
    %convert_element_type3A_13 = arith.extui %gt3A_12 : i1 to i32
    %cond3A_14 = arith.constant 0 : i32
    %cond3A_15 = arith.cmpi ne, %convert_element_type3A_13, %cond3A_14 : i32
    scf.if %cond3A_15 {
      %get3A_16 = arith.constant 0 : index
      %get3A_17 = arith.constant 0 : index
      %get3A_18 = vector.load %arg3[%get3A_16, %get3A_17] : memref<1x1xf32, #tpu.memory_space<vmem>>, vector<1x1xf32>
      %add3A = arith.addf %get3A_18, %reshape3A : vector<1x1xf32>
      %swap3A_19 = arith.constant 0 : index
      %swap3A_20 = arith.constant 0 : index
      %swap3A_21 = vector.load %arg3[%swap3A_19, %swap3A_20] : memref<1x1xf32, #tpu.memory_space<vmem>>, vector<1x1xf32>
      tpu.vector_store %arg3[%swap3A_19, %swap3A_20], %add3A {strides = array<i32>} : memref<1x1xf32, #tpu.memory_space<vmem>>, vector<1x1xf32>,
    } else {
    }
    return
  }
  func.func @transform_0(%arg0: i32) -> (i32, i32) {
    %c0_i32 = arith.constant 0 : i32
    %c0_i32_0 = arith.constant 0 : i32
    return %arg0, %c0_i32 : i32, i32
  }
  func.func @transform_1(%arg0: i32) -> (i32, i32) {
    %c0_i32 = arith.constant 0 : i32
    %c0_i32_0 = arith.constant 0 : i32
    return %arg0, %c0_i32 : i32, i32
  }
  func.func @transform_2(%arg0: i32) -> (i32, i32) {
    %c0_i32 = arith.constant 0 : i32
    %c0_i32_0 = arith.constant 0 : i32
    %c0_i32_1 = arith.constant 0 : i32
    return %c0_i32, %c0_i32_0 : i32, i32
  }
}

module attributes {stable_mosaic.version = 14 : i64} {
  func.func @_final_body(%arg0: i32, %arg1: memref<1000x128xf32, #tpu.memory_space<vmem>>, %arg2: memref<2x1000x128xf32, #tpu.memory_space<vmem>>, %arg3: memref<1000x1xf32, #tpu.memory_space<vmem>>, %arg4: memref<1000x1xf32, #tpu.memory_space<vmem>>, %arg5: memref<1x1xf32, #tpu.memory_space<vmem>>, %arg6: memref<1x1xf32, #tpu.memory_space<vmem>>, %arg7: memref<1x1xf32, #tpu.memory_space<vmem>>, %arg8: memref<1x128xf32, #tpu.memory_space<vmem>>, %arg9: memref<1000x128xf32, #tpu.memory_space<vmem>>) attributes {dimension_semantics = [#tpu.dimension_semantics<arbitrary>], iteration_bounds = array<i64: 10>, scalar_prefetch = 0 : i64, scratch_operands = 0 : i64, tpu.core_type = #tpu.core_type<tc>, window_params = [{transform_indices = @transform_0, window_bounds = array<i64: 1000, 128>}, {transform_indices = @transform_1, window_bounds = array<i64: 2, 1000, 128>}, {transform_indices = @transform_2, window_bounds = array<i64: 1000, 1>}, {transform_indices = @transform_3, window_bounds = array<i64: 1000, 1>}, {pipeline_mode = #tpu.pipeline_mode<synchronous>, transform_indices = @transform_4, window_bounds = array<i64: 1, 1>}, {pipeline_mode = #tpu.pipeline_mode<synchronous>, transform_indices = @transform_5, window_bounds = array<i64: 1, 1>}, {pipeline_mode = #tpu.pipeline_mode<synchronous>, transform_indices = @transform_6, window_bounds = array<i64: 1, 1>}, {pipeline_mode = #tpu.pipeline_mode<synchronous>, transform_indices = @transform_7, window_bounds = array<i64: 1, 128>}, {transform_indices = @transform_8, window_bounds = array<i64: 1000, 128>}]} {
    %get3A = arith.constant 0 : index
    %get3A_0 = arith.constant 0 : index
    %get3A_1 = vector.load %arg3[%get3A, %get3A_0] : memref<1000x1xf32, #tpu.memory_space<vmem>>, vector<1000x1xf32>
    %get3A_2 = arith.constant 0 : index
    %get3A_3 = arith.constant 0 : index
    %get3A_4 = arith.constant 0 : index
    %get3A_5 = vector.load %arg2[%get3A_2, %get3A_3, %get3A_4] : memref<2x1000x128xf32, #tpu.memory_space<vmem>>, vector<1x1000x128xf32>
    %get3A_6 = vector.shape_cast %get3A_5 : vector<1x1000x128xf32> to vector<1000x128xf32>
    %get3A_7 = arith.constant 1 : index
    %get3A_8 = arith.constant 0 : index
    %get3A_9 = arith.constant 0 : index
    %get3A_10 = vector.load %arg2[%get3A_7, %get3A_8, %get3A_9] : memref<2x1000x128xf32, #tpu.memory_space<vmem>>, vector<1x1000x128xf32>
    %get3A_11 = vector.shape_cast %get3A_10 : vector<1x1000x128xf32> to vector<1000x128xf32>
    %add3A = arith.addf %get3A_6, %get3A_11 : vector<1000x128xf32>
    %get3A_12 = arith.constant 0 : index
    %get3A_13 = arith.constant 0 : index
    %get3A_14 = vector.load %arg1[%get3A_12, %get3A_13] : memref<1000x128xf32, #tpu.memory_space<vmem>>, vector<1000x128xf32>
    %add3A_15 = arith.addf %add3A, %get3A_14 : vector<1000x128xf32>
    %mul3A = vector.broadcast %get3A_1 : vector<1000x1xf32> to vector<1000x128xf32>
    %mul3A_16 = arith.mulf %mul3A, %add3A_15 : vector<1000x128xf32>
    %get3A_17 = arith.constant 0 : index
    %get3A_18 = arith.constant 0 : index
    %get3A_19 = vector.load %arg8[%get3A_17, %get3A_18] : memref<1x128xf32, #tpu.memory_space<vmem>>, vector<1x128xf32>
    %add3A_20 = vector.broadcast %get3A_19 : vector<1x128xf32> to vector<1000x128xf32>
    %add3A_21 = arith.addf %mul3A_16, %add3A_20 : vector<1000x128xf32>
    %get3A_22 = arith.constant 0 : index
    %get3A_23 = arith.constant 0 : index
    %get3A_24 = vector.load %arg7[%get3A_22, %get3A_23] : memref<1x1xf32, #tpu.memory_space<vmem>>, vector<1x1xf32>
    %div3A = vector.broadcast %get3A_24 : vector<1x1xf32> to vector<1000x128xf32>
    %div3A_25 = arith.divf %add3A_21, %div3A : vector<1000x128xf32>
    %reduce_max3A = arith.constant dense<0xFF800000> : vector<1000xf32>
    %reduce_max3A_26 = vector.multi_reduction <maximumf>, %div3A_25, %reduce_max3A [1] : vector<1000x128xf32> to vector<1000xf32>
    %broadcast_in_dim3A = vector.shape_cast %reduce_max3A_26 : vector<1000xf32> to vector<1000x1xf32>
    %sub3A = vector.broadcast %broadcast_in_dim3A : vector<1000x1xf32> to vector<1000x128xf32>
    %sub3A_27 = arith.subf %div3A_25, %sub3A : vector<1000x128xf32>
    %exp3A = math.exp %sub3A_27 : vector<1000x128xf32>
    %reduce_sum3A = arith.constant dense<0.000000e+00> : vector<1000xf32>
    %reduce_sum3A_28 = vector.multi_reduction <add>, %exp3A, %reduce_sum3A [1] : vector<1000x128xf32> to vector<1000xf32>
    %broadcast_in_dim3A_29 = vector.shape_cast %reduce_sum3A_28 : vector<1000xf32> to vector<1000x1xf32>
    %div3A_30 = vector.broadcast %broadcast_in_dim3A_29 : vector<1000x1xf32> to vector<1000x128xf32>
    %div3A_31 = arith.divf %exp3A, %div3A_30 : vector<1000x128xf32>
    %add3A_32 = arith.constant 9.99999996E-13 : f32
    %add3A_33 = vector.broadcast %add3A_32 : f32 to vector<1000x128xf32>
    %add3A_34 = arith.addf %div3A_31, %add3A_33 : vector<1000x128xf32>
    %log3A = math.log %add3A_34 : vector<1000x128xf32>
    %mul3A_35 = arith.mulf %div3A_31, %log3A : vector<1000x128xf32>
    %reduce_sum3A_36 = arith.constant dense<0.000000e+00> : vector<1000xf32>
    %reduce_sum3A_37 = vector.multi_reduction <add>, %mul3A_35, %reduce_sum3A_36 [1] : vector<1000x128xf32> to vector<1000xf32>
    %broadcast_in_dim3A_38 = vector.shape_cast %reduce_sum3A_37 : vector<1000xf32> to vector<1000x1xf32>
    %neg3A = arith.constant 0.000000e+00 : f32
    %neg3A_39 = vector.broadcast %neg3A : f32 to vector<1000x1xf32>
    %neg3A_40 = arith.subf %neg3A_39, %broadcast_in_dim3A_38 : vector<1000x1xf32>
    %add3A_41 = vector.broadcast %neg3A_40 : vector<1000x1xf32> to vector<1000x128xf32>
    %add3A_42 = arith.addf %log3A, %add3A_41 : vector<1000x128xf32>
    %mul3A_43 = arith.mulf %div3A_31, %add3A_42 : vector<1000x128xf32>
    %neg3A_44 = arith.constant 0.000000e+00 : f32
    %neg3A_45 = vector.broadcast %neg3A_44 : f32 to vector<1000x128xf32>
    %neg3A_46 = arith.subf %neg3A_45, %mul3A_43 : vector<1000x128xf32>
    %div3A_47 = vector.broadcast %get3A_24 : vector<1x1xf32> to vector<1000x128xf32>
    %div3A_48 = arith.divf %neg3A_46, %div3A_47 : vector<1000x128xf32>
    %get3A_49 = arith.constant 0 : index
    %get3A_50 = arith.constant 0 : index
    %get3A_51 = vector.load %arg4[%get3A_49, %get3A_50] : memref<1000x1xf32, #tpu.memory_space<vmem>>, vector<1000x1xf32>
    %get3A_52 = arith.constant 0 : index
    %get3A_53 = arith.constant 0 : index
    %get3A_54 = vector.load %arg5[%get3A_52, %get3A_53] : memref<1x1xf32, #tpu.memory_space<vmem>>, vector<1x1xf32>
    %add3A_55 = arith.constant 9.99999996E-13 : f32
    %add3A_56 = vector.broadcast %add3A_55 : f32 to vector<1x1xf32>
    %add3A_57 = arith.addf %get3A_54, %add3A_56 : vector<1x1xf32>
    %div3A_58 = vector.broadcast %add3A_57 : vector<1x1xf32> to vector<1000x1xf32>
    %div3A_59 = arith.divf %get3A_51, %div3A_58 : vector<1000x1xf32>
    %get3A_60 = arith.constant 0 : index
    %get3A_61 = arith.constant 0 : index
    %get3A_62 = vector.load %arg6[%get3A_60, %get3A_61] : memref<1x1xf32, #tpu.memory_space<vmem>>, vector<1x1xf32>
    %mul3A_63 = vector.broadcast %div3A_59 : vector<1000x1xf32> to vector<1000x128xf32>
    %mul3A_64 = arith.mulf %div3A_48, %mul3A_63 : vector<1000x128xf32>
    %mul3A_65 = vector.broadcast %get3A_62 : vector<1x1xf32> to vector<1000x128xf32>
    %mul3A_66 = arith.mulf %mul3A_65, %mul3A_64 : vector<1000x128xf32>
    %add3A_67 = arith.addf %add3A_21, %mul3A_66 : vector<1000x128xf32>
    %swap3A = arith.constant 0 : index
    %swap3A_68 = arith.constant 0 : index
    %swap3A_69 = vector.load %arg9[%swap3A, %swap3A_68] : memref<1000x128xf32, #tpu.memory_space<vmem>>, vector<1000x128xf32>
    tpu.vector_store %arg9[%swap3A, %swap3A_68], %add3A_67 {strides = array<i32>} : memref<1000x128xf32, #tpu.memory_space<vmem>>, vector<1000x128xf32>,
    return
  }
  func.func @transform_0(%arg0: i32) -> (i32, i32) {
    %c0_i32 = arith.constant 0 : i32
    %c0_i32_0 = arith.constant 0 : i32
    return %arg0, %c0_i32 : i32, i32
  }
  func.func @transform_1(%arg0: i32) -> (i32, i32, i32) {
    %c0_i32 = arith.constant 0 : i32
    %c0_i32_0 = arith.constant 0 : i32
    %c0_i32_1 = arith.constant 0 : i32
    return %c0_i32, %arg0, %c0_i32_0 : i32, i32, i32
  }
  func.func @transform_2(%arg0: i32) -> (i32, i32) {
    %c0_i32 = arith.constant 0 : i32
    %c0_i32_0 = arith.constant 0 : i32
    return %arg0, %c0_i32 : i32, i32
  }
  func.func @transform_3(%arg0: i32) -> (i32, i32) {
    %c0_i32 = arith.constant 0 : i32
    %c0_i32_0 = arith.constant 0 : i32
    return %arg0, %c0_i32 : i32, i32
  }
  func.func @transform_4(%arg0: i32) -> (i32, i32) {
    %c0_i32 = arith.constant 0 : i32
    %c0_i32_0 = arith.constant 0 : i32
    %c0_i32_1 = arith.constant 0 : i32
    return %c0_i32, %c0_i32_0 : i32, i32
  }
  func.func @transform_5(%arg0: i32) -> (i32, i32) {
    %c0_i32 = arith.constant 0 : i32
    %c0_i32_0 = arith.constant 0 : i32
    %c0_i32_1 = arith.constant 0 : i32
    return %c0_i32, %c0_i32_0 : i32, i32
  }
  func.func @transform_6(%arg0: i32) -> (i32, i32) {
    %c0_i32 = arith.constant 0 : i32
    %c0_i32_0 = arith.constant 0 : i32
    %c0_i32_1 = arith.constant 0 : i32
    return %c0_i32, %c0_i32_0 : i32, i32
  }
  func.func @transform_7(%arg0: i32) -> (i32, i32) {
    %c0_i32 = arith.constant 0 : i32
    %c0_i32_0 = arith.constant 0 : i32
    %c0_i32_1 = arith.constant 0 : i32
    return %c0_i32, %c0_i32_0 : i32, i32
  }
  func.func @transform_8(%arg0: i32) -> (i32, i32) {
    %c0_i32 = arith.constant 0 : i32
    %c0_i32_0 = arith.constant 0 : i32
    return %arg0, %c0_i32 : i32, i32
  }
}

</mosaic_0001>

<sc_bundles>
// kernel: kernel.11.cloned.1.call-start
scs
__scs_entry_jumppad:
0x0: {  	(pc) =	sbr.rel $0x88, $3  }
0x1: {  	(tag) =	ssettag $0x0;
	lr =	simm.s32 $0x1  }
0x2: {  	[smem:$0x3F9A] =	sst lr;
	_ =	strace $0xD0000000  }
0x3: {  	_ = 	snop  }
0x4: {  	_ = 	snop  }
0x5: {  	_ = 	snop  }
0x6: {  	_ = 	snop  }
0x7: {  	_ = 	snop  }
__scs_overlays_trampoline_lowered:
0x8: {  	[smem:$0x3FA9] =	sst s0  }
0x9: {  	[smem:$0x3FAA] =	sst s1  }
0xa: {  	[smem:$0x3FAB] =	sst s2  }
0xb: {  	[smem:$0x3FAC] =	sst s3  }
0xc: {  	[smem:$0x3FAD] =	sst s4  }
0xd: {  	[smem:$0x3FAE] =	sst s5  }
0xe: {  	[smem:$0x3FAF] =	sst s6  }
0xf: {  	[smem:$0x3FB0] =	sst s7  }
0x10: {  	[smem:$0x3FB1] =	sst s8  }
0x11: {  	[smem:$0x3FB2] =	sst s9;
	s0 =	simm.s32 @!p0 $0x0  }
0x12: {  	s1 =	sld [smem:$0x3F98];
	s0 =	simm.s32 @p0 $0x1  }
0x13: {  	[smem:$0x3FB3] =	sst s0;
	s0 =	simm.s32 @!p1 $0x0  }
0x14: {  	s2 =	sld [smem:$0x3F97];
	s0 =	simm.s32 @p1 $0x1  }
0x15: {  	[smem:$0x3FB4] =	sst s0;
	s0 =	simm.s32 @!p2 $0x0  }
0x16: {  	s3 =	sld [smem:$0x3FDB];
	s0 =	simm.s32 @p2 $0x1  }
0x17: {  	s4 =	simm.s32 $0x1BF5;
	[smem:$0x3FB6] =	sst s0  }
0x18: {  	s0 =	sld [smem:$0x3F99];
	_ =	swait.ge [sflag:s4], $0x0  }
0x19: {  	s7 =	sld [smem:$0x3F9A]  }
0x1a: {  	s8 =	sadd.s32 $0xFFFFE003, lr  }
0x1b: {  	s9 =	sadd.s32 $0xFFFFFEF7, lr;
	s5 =	simm.s32 $0xFFFFFFFF;
	p2 =	slt.u32 s8, $0xFFFFF086  }
0x1c: {  	p1 =	slt.u32 s9, $0xF7A;
	s5 =	simm.s32 @!p2 $0x0  }
0x1d: {  	s5 =	simm.s32 @p1 $0x1;
	p0 =	seq.s32 s7, s2  }
0x1e: {  	s7 =	smul.u32 @!p0 $0xF7A, s2;
	p2 =	seq.s32 @!p0 s5, $0x0  }
0x1f: {  	s9 =	smul.u32 $0xF7A, s1;
	s8 =	simm.s32 @!p0 $0x1BF5;
	p2 =	por !p2, p0  }
0x20: {  	[sflag:s8] =	ssyncset.s32 @!p0 $0xFFFFF086;
	s6 =	sadd.s32 @!p0 s3, s7;
	s7 =	simm.s32 @!p0 $0x108  }
0x21: {  	s3 =	sadd.s32 s3, s9;
	s6 =	sadd.s32 @!p0 $0x88, s6;
	s7 =	simm.s32 @p2 $0x1082  }
0x22: {  	[simem:s7], [sflag:s8] =	dma.local @!p0 [hbm:s6], $0xF7A  }
0x23: {  	s9 =	sor.u32 $0xD0000000, s2;
	s6 =	simm.s32 $0x108;
	_ =	swait.ge @!p0 [sflag:s8], $0x0  }
0x24: {  	s3 =	sadd.s32 $0x88, s3;
	s6 =	simm.s32 @!p1 $0x1082;
	[sflag:s4] =	ssyncset.s32 $0xFFFFF086  }
0x25: {  	[simem:s6], [sflag:s4] =	dma.local [hbm:s3], $0xF7A  }
0x26: {  	[smem:$0x3F9A] =	sst s1;
	(tag) =	ssettag s2;
	_ =	strace s9  }
0x27: {  	s1 =	sld [smem:$0x3FAA]  }
0x28: {  	s2 =	sld [smem:$0x3FAB]  }
0x29: {  	s4 =	sld [smem:$0x3FAD]  }
0x2a: {  	p0 =	seq.s32 s5, $0x0;
	s5 =	sld [smem:$0x3FAE]  }
0x2b: {  	s6 =	sld [smem:$0x3FAF]  }
0x2c: {  	s7 =	sld [smem:$0x3FB0]  }
0x2d: {  	s3 =	simm.s32 $0x108;
	s8 =	sld [smem:$0x3FB1]  }
0x2e: {  	s3 =	simm.s32 @!p0 $0x1082;
	s9 =	sld [smem:$0x3FB2]  }
0x2f: {  	lr =	sadd.s32 s0, s3;
	s0 =	sld [smem:$0x3FA9]  }
0x30: {  	s3 =	sld [smem:$0x3FAC]  }
0x31: {  	[smem:$0x3FB5] =	sst s10  }
0x32: {  	s10 =	sld [smem:$0x3FB3];
	_ =	sdelay $0x3  }
0x33: {  	p0 =	seq.s32 s10, $0x1;
	s10 =	sld [smem:$0x3FB5];
	_ =	sdelay $0x3  }
0x34: {  	[smem:$0x3FB5] =	sst s10  }
0x35: {  	s10 =	sld [smem:$0x3FB4];
	_ =	sdelay $0x3  }
0x36: {  	p1 =	seq.s32 s10, $0x1;
	s10 =	sld [smem:$0x3FB5];
	_ =	sdelay $0x3  }
0x37: {  	[smem:$0x3FB5] =	sst s10  }
0x38: {  	s10 =	sld [smem:$0x3FB6]  }
0x39: {  	_ = 	snop;
	(pc) =	sbr.ind lr, $3  }
0x3a: {  	_ = 	snop  }
0x3b: {  	_ = 	snop  }
0x3c: {  	p2 =	seq.s32 s10, $0x1;
	s10 =	sld [smem:$0x3FB5]  }
0x3d: {  	_ =	shalt  }
0x3e: {  	_ =	shalt  }
0x3f: {  	_ =	shalt  }
0x40: {  	_ =	shalt  }
0x41: {  	_ =	shalt  }
0x42: {  	_ =	shalt  }
0x43: {  	_ =	shalt  }
0x44: {  	_ =	shalt  }
0x45: {  	_ =	shalt  }
0x46: {  	_ =	shalt  }
0x47: {  	_ =	shalt  }
0x48: {  	_ =	shalt  }
0x49: {  	_ =	shalt  }
0x4a: {  	_ =	shalt  }
0x4b: {  	_ =	shalt  }
0x4c: {  	_ =	shalt  }
0x4d: {  	_ =	shalt  }
0x4e: {  	_ =	shalt  }
0x4f: {  	_ =	shalt  }
0x50: {  	_ =	shalt  }
0x51: {  	_ =	shalt  }
0x52: {  	_ =	shalt  }
0x53: {  	_ =	shalt  }
0x54: {  	_ =	shalt  }
0x55: {  	_ =	shalt  }
0x56: {  	_ =	shalt  }
0x57: {  	_ =	shalt  }
0x58: {  	_ =	shalt  }
0x59: {  	_ =	shalt  }
0x5a: {  	_ =	shalt  }
0x5b: {  	_ =	shalt  }
0x5c: {  	_ =	shalt  }
0x5d: {  	_ =	shalt  }
0x5e: {  	_ =	shalt  }
0x5f: {  	_ =	shalt  }
0x60: {  	_ =	shalt  }
0x61: {  	_ =	shalt  }
0x62: {  	_ =	shalt  }
0x63: {  	_ =	shalt  }
0x64: {  	_ =	shalt  }
0x65: {  	_ =	shalt  }
0x66: {  	_ =	shalt  }
0x67: {  	_ =	shalt  }
0x68: {  	_ =	shalt  }
0x69: {  	_ =	shalt  }
0x6a: {  	_ =	shalt  }
0x6b: {  	_ =	shalt  }
0x6c: {  	_ =	shalt  }
0x6d: {  	_ =	shalt  }
0x6e: {  	_ =	shalt  }
0x6f: {  	_ =	shalt  }
0x70: {  	_ =	shalt  }
0x71: {  	_ =	shalt  }
0x72: {  	_ =	shalt  }
0x73: {  	_ =	shalt  }
0x74: {  	_ =	shalt  }
0x75: {  	_ =	shalt  }
0x76: {  	_ =	shalt  }
0x77: {  	_ =	shalt  }
0x78: {  	_ =	shalt  }
0x79: {  	_ =	shalt  }
0x7a: {  	_ =	shalt  }
0x7b: {  	_ =	shalt  }
0x7c: {  	_ =	shalt  }
0x7d: {  	_ =	shalt  }
0x7e: {  	_ =	shalt  }
0x7f: {  	_ =	shalt  }
0x80: {  	_ =	shalt  }
0x81: {  	_ =	shalt  }
0x82: {  	_ =	shalt  }
0x83: {  	_ =	shalt  }
0x84: {  	_ =	shalt  }
0x85: {  	_ =	shalt  }
0x86: {  	_ =	shalt  }
0x87: {  	_ =	shalt  }
.Lfunc_end0:
.L_simem_size_0:
called_computation.1_lowered:
.L_overlay_start_0:
0x88: {  	s2 =	sld [smem:$0x3FD9]  }
0x89: {  	s3 =	sld [smem:$0x3FFE];
	_ =	sdelay $0x1  }
0x8a: {  	s1 =	srdreg.scid  }
0x8b: {  	s0 =	sand.u32 $0x1, s1  }
0x8c: {  	s17 =	sshll.u32 s0, $0xA;
	s2 =	sadd.s32 s3, s2  }
0x8d: {  	s2 =	sadd.s32 s2, s17  }
0x8e: {  	[smem:$0x3FC1] =	sst s2  }
0x8f: {  	_ = 	snop  }
0x90: {  	s2 =	sld [smem:$0x3FD0];
	(tm) =	ssettm $0x1  }
0x91: {  	s18 =	sld [smem:$0x3FFB];
	_ =	sdelay $0x3  }
0x92: {  	_ =	strace s18  }
0x93: {  	s3 =	sld [smem:$0x3FFC];
	_ =	sdelay $0x3  }
0x94: {  	_ =	strace s3  }
0x95: {  	s3 =	sld [smem:$0x3FFD];
	_ =	sdelay $0x3  }
0x96: {  	_ =	strace s3  }
0x97: {  	_ =	strace $0x8FFFFFFF  }
0x98: {  	s19 =	sld [smem:$0x3FDB];
	_ =	sdelay $0x1  }
0x99: {  	s4 =	simm.s32 $_scs_section_size  }
0x9a: {  	s5 =	simm.s32 $_size__tile_overlayer_lowered;
	s6 =	simm.s32 $_tile_overlayer_lowered  }
0x9b: {  	s22 =	simm.s32 $0x1BFF;
	s21 =	sshll.u32 s6, $0x1;
	s3 =	sadd.s32 s4, s19  }
0x9c: {  	s7 =	simm.s32 $0x0;
	s20 =	sshll.u32 s5, $0x1;
	s5 =	sadd.s32 s21, s3  }
0x9d: {  	[timem:s7], [sflag:s22] =	dma.local [hbm:s5], s20  }
0x9e: {  	_ =	swait.ge [sflag:s22], s20  }
0x9f: {  	s4 =	ssub.s32 $0x0, s20;
	[sflag:s22] =	ssyncset.done $0x0  }
0xa0: {  	[sflag:s22] =	ssyncadd.s32 s4;
	_ =	sdelay $0x1  }
0xa1: {  	s23 =	simm.s32 $0x1B8B  }
0xa2: {  	_ =	swait.ge [sflag:s23], $0x1  }
0xa3: {  	[sflag:s23] =	ssyncset.done $0x0  }
0xa4: {  	s25 =	simm.s32 $0x1B8E;
	s24 =	sld [smem:$0x3FFE];
	[sflag:s23] =	ssyncadd.s32 $0xFFFFFFFF  }
0xa5: {  	s26 =	simm.s32 $execute0_lowered;
	[smem:$0x3FD2] =	sst s25  }
0xa6: {  	s5 =	sshll.u32 s26, $0x1;
	_ =	strace $0x80000049;
	[dreg:$0x1] =	wrdreg $0xFFFFFFFF  }
0xa7: {  	s28 =	simm.s32 $_size_execute0_lowered;
	s3 =	sadd.s32 s3, s5;
	[dreg:$0x0] =	wrdreg $0x0  }
0xa8: {  	s5 =	sshll.u32 s28, $0x1;
	[dreg:$0x2] =	wrdreg s3  }
0xa9: {  	[dreg:$0x3] =	wrdreg s5  }
0xaa: {  	[dreg:$0x4] =	wrdreg $0xC0  }
0xab: {  	_ =	task [dreg:s7], $0x5FFFF  }
0xac: {  	[dreg:$0x1] =	wrdreg $0xFFFFFFFF  }
0xad: {  	[dreg:$0x0] =	wrdreg $0x60  }
0xae: {  	[dreg:$0x2] =	wrdreg s2  }
0xaf: {  	[dreg:$0x3] =	wrdreg s24  }
0xb0: {  	[dreg:$0x4] =	wrdreg $0x68000  }
0xb1: {  	[dreg:$0x5] =	wrdreg $0x9  }
0xb2: {  	_ =	task.clear_ibuf [dreg:s7], $0x6FFFF;
	_ =	strace $0x90000049  }
0xb3: {  	s29 =	simm.s32 $0x9;
	_ =	strace $0x8000004B  }
0xb4: {  	_ =	swait.ge [sflag:s29], $0x1  }
0xb5: {  	[sflag:s29] =	ssyncadd.s32 $0xFFFFFFFF  }
0xb6: {  	_ =	strace $0x9000004B  }
0xb7: {  	_ =	sfence  }
0xb8: {  	s30 =	sld [smem:$0x0];
	_ =	sdelay $0x2  }
0xb9: {  	s31 =	sshll.u32 s1, $0xD;
	s1 =	sshrl.u32 s1, $0x2  }
0xba: {  	s3 =	sand.u32 $0x4000, s31;
	s1 =	sadd.s32 s1, s30  }
0xbb: {  	s0 =	sor.u32 s3, s0;
	s1 =	sshll.u32 s1, $0x11  }
0xbc: {  	s0 =	sor.u32 s1, s0  }
0xbd: {  	s0 =	sadd.s32 $0x8F2B, s0  }
0xbe: {  	[sflag:s0] =	ssyncadd.remote.s32 $0x1  }
0xbf: {  	_ =	sfence.sel $0xFFFF  }
0xc0: {  	[dreg:$0x0] =	wrdreg $0xFFFFFFFF;
	(pc) =	sbr.abs _section_cstart, $3  }
0xc1: {  	[dreg:$0x1] =	wrdreg $0xFFFFFFFF  }
0xc2: {  	_ =	task.clear_ibuf [dreg:s7], $0x2FFFF;
	_ =	strace $0x9FFFFFFF  }
0xc3: {  	(tm) =	ssettm $0x7FFFFFFF  }
tec
execute0_lowered:
.L_overlay_start_1:
0x0: {  	(tag) =	ssettag $0x1  }
0x1: {  	s2 =	rddreg [dreg:$0x0]  }
0x2: {  	s1 =	srdreg.scid;
	s6 =	rddreg [dreg:$0x1]  }
0x3: {  	s0 =	stileid.u32;
	s3 =	rddreg [dreg:$0x2];
	s4 =	simm.s32 $0x0  }
0x4: {  	s17 =	simm.s32 $0x2;
	s18 =	simm.s32 $0x1400;
	s19 =	simm.s32 $0x7D  }
0x5: {  	s20 =	simm.s32 $0x2800;
	s21 =	simm.s32 $0x1;
	s9 =	smul.u32 $0x1F400, s0  }
0x6: {  	s5 =	sand.u32 $0x1, s1;
	s26 =	sshll.u32 s0, $0x1;
	s10 =	smul.u32 $0x7D000, s0  }
0x7: {  	[smem:$0x7FF] =	sst s4;
	s1 =	sor.u32 s5, s26;
	s8 =	smul.u32 $0x138800, s5  }
0x8: {  	p0 =	sgt.u32 s0, $0x9;
	s29 =	ssub.s32 $0x2, s5;
	s7 =	smul.u32 $0x280, s1  }
0x9: {  	s1 =	rddreg [dreg:$0x3];
	_ =	strace $0x8000004A;
	s30 =	sshrl.u32 s10, $0x2  }
0xa: {  	s31 =	sshrl.u32 s29, $0x1;
	s28 =	sadd.s32 s9, s8;
	s5 =	sadd.s32 s30, s3  }
0xb: {  	s16 =	ssub.s32 s29, s31;
	s14 =	sadd.s32 s7, s6;
	s7 =	sshrl.u32 s28, $0x3  }
0xc: {  	s8 =	sadd.s32 $0xBB80, s5;
	s9 =	sadd.s32 $0xFA00, s5;
	s10 =	sadd.s32 $0x13880, s5  }
0xd: {  	s11 =	sadd.s32 $0x17700, s5;
	s12 =	sadd.s32 $0x1B580, s5;
	s16 =	smax.u32 s16, $0x1  }
0xe: {  	s15 =	sadd.s32 s7, s6;
	s6 =	sadd.s32 $0x3E80, s5;
	s7 =	sadd.s32 $0x7D00, s5  }
0xf: {  	v0 =	vimm.f32 $0.0e+00;
	s13 =	sadd.s32 $0xBA00, s14;
	s14 =	sadd.s32 $0x6A00, s14;
	s15 =	sadd.s32 $0x10A00, s15  }
.LBB2_1:
0x10: {  	s22 =	simm.s32 $0x0;
	s23 =	simm.s32 $0x200  }
.LBB2_2:
0x11: {  	p1 =	sne.s32 s23, $0xF800;
	[tilespmem:s22+$0x2870] =	vst v0  }
0x12: {  	[tilespmem:s22+$0x2800] =	vst v0  }
0x13: {  	[tilespmem:s22+$0x2810] =	vst v0  }
.Ltmp0:
0x14: {  	[tilespmem:s22+$0x2820] =	vst v0;
	(pc) =	sbr.rel @p1 .LBB2_2-.Ltmp0, $4  }
0x15: {  	[tilespmem:s22+$0x2830] =	vst v0  }
0x16: {  	[tilespmem:s22+$0x2840] =	vst v0  }
0x17: {  	[tilespmem:s22+$0x2850] =	vst v0  }
0x18: {  	[tilespmem:s22+$0x2860] =	vst v0;
	s22 =	sshra.s32 s23, $0x2;
	s23 =	sadd.s32 $0x200, s23  }
0x19: {  	[tilespmem:s22+$0x2870] =	vst v0  }
0x1a: {  	[tilespmem:s22+$0x2800] =	vst v0  }
0x1b: {  	[tilespmem:s22+$0x2810] =	vst v0  }
0x1c: {  	[tilespmem:s22+$0x2820] =	vst v0  }
0x1d: {  	[tilespmem:s22+$0x2830] =	vst v0  }
0x1e: {  	[tilespmem:s22+$0x2840] =	vst v0  }
0x1f: {  	[tilespmem:s22+$0x2850] =	vst v0  }
0x20: {  	[tilespmem:s22+$0x2860] =	vst v0;
	s22 =	simm.s32 @!p0 $0x2800;
	s23 =	simm.s32 @!p0 $0x2  }
0x21: {  	[spmem:s5] =	stream.linear.scatter @!p0 [tilespmem:s22], [sflag:$0x2], $0x3E80, $0x38;
	[tilespmem:$0x1A080] =	vst v63  }
0x22: {  	_ =	swait.ge @!p0 [sflag:s23], $0x3E80  }
0x23: {  	[sflag:s23] =	ssyncset.done @!p0 $0x0  }
0x24: {  	[sflag:s23] =	ssyncadd.s32 @!p0 $0xFFFFC180  }
0x25: {  	[spmem:s6] =	stream.linear.scatter @!p0 [tilespmem:s22], [sflag:$0x2], $0x3E80, $0x38;
	[tilespmem:$0x1A080] =	vst v63  }
0x26: {  	_ =	swait.ge @!p0 [sflag:s23], $0x3E80  }
0x27: {  	[sflag:s23] =	ssyncset.done @!p0 $0x0  }
0x28: {  	[sflag:s23] =	ssyncadd.s32 @!p0 $0xFFFFC180  }
0x29: {  	[spmem:s7] =	stream.linear.scatter @!p0 [tilespmem:s22], [sflag:$0x2], $0x3E80, $0x38;
	[tilespmem:$0x1A080] =	vst v63  }
0x2a: {  	_ =	swait.ge @!p0 [sflag:s23], $0x3E80  }
0x2b: {  	[sflag:s23] =	ssyncset.done @!p0 $0x0  }
0x2c: {  	[sflag:s23] =	ssyncadd.s32 @!p0 $0xFFFFC180  }
0x2d: {  	[spmem:s8] =	stream.linear.scatter @!p0 [tilespmem:s22], [sflag:$0x2], $0x3E80, $0x38;
	[tilespmem:$0x1A080] =	vst v63  }
0x2e: {  	_ =	swait.ge @!p0 [sflag:s23], $0x3E80  }
0x2f: {  	[sflag:s23] =	ssyncset.done @!p0 $0x0  }
0x30: {  	[sflag:s23] =	ssyncadd.s32 @!p0 $0xFFFFC180  }
0x31: {  	[spmem:s9] =	stream.linear.scatter @!p0 [tilespmem:s22], [sflag:$0x2], $0x3E80, $0x38;
	[tilespmem:$0x1A080] =	vst v63  }
0x32: {  	_ =	swait.ge @!p0 [sflag:s23], $0x3E80  }
0x33: {  	[sflag:s23] =	ssyncset.done @!p0 $0x0  }
0x34: {  	[sflag:s23] =	ssyncadd.s32 @!p0 $0xFFFFC180  }
0x35: {  	[spmem:s10] =	stream.linear.scatter @!p0 [tilespmem:s22], [sflag:$0x2], $0x3E80, $0x38;
	[tilespmem:$0x1A080] =	vst v63  }
0x36: {  	_ =	swait.ge @!p0 [sflag:s23], $0x3E80  }
0x37: {  	[sflag:s23] =	ssyncset.done @!p0 $0x0  }
0x38: {  	[sflag:s23] =	ssyncadd.s32 @!p0 $0xFFFFC180  }
0x39: {  	[spmem:s11] =	stream.linear.scatter @!p0 [tilespmem:s22], [sflag:$0x2], $0x3E80, $0x38;
	[tilespmem:$0x1A080] =	vst v63  }
0x3a: {  	_ =	swait.ge @!p0 [sflag:s23], $0x3E80  }
0x3b: {  	[sflag:s23] =	ssyncset.done @!p0 $0x0  }
0x3c: {  	[sflag:s23] =	ssyncadd.s32 @!p0 $0xFFFFC180  }
0x3d: {  	[spmem:s12] =	stream.linear.scatter @!p0 [tilespmem:s22], [sflag:$0x2], $0x3E80, $0x38;
	[tilespmem:$0x1A080] =	vst v63  }
0x3e: {  	_ =	swait.ge @!p0 [sflag:s23], $0x3E80  }
0x3f: {  	[sflag:s23] =	ssyncset.done @!p0 $0x0  }
0x40: {  	s29 =	simm.s32 $0x0;
	[sflag:s23] =	ssyncadd.s32 @!p0 $0xFFFFC180  }
0x41: {  	[tilespmem:s29], [sflag:$0x2] =	stream.linear.gather [hbm4b:s13+s29], $0x1400, $0x38;
	[tilespmem:$0x1A080] =	vst v63  }
0x42: {  	_ =	swait.ge [sflag:s17], $0x1400  }
0x43: {  	[sflag:s17] =	ssyncset.done $0x0  }
0x44: {  	[sflag:s17] =	ssyncadd.s32 $0xFFFFEC00  }
0x45: {  	[tilespmem:s18], [sflag:$0x2] =	stream.linear.gather [hbm4b:s14+s29], $0x1400, $0x38;
	[tilespmem:$0x1A080] =	vst v63  }
0x46: {  	_ =	swait.ge [sflag:s17], $0x1400  }
0x47: {  	[sflag:s17] =	ssyncset.done $0x0  }
0x48: {  	[sflag:s17] =	ssyncadd.s32 $0xFFFFEC00  }
0x49: {  	s30 =	simm.s32 $0x0;
	[bflag:$0x0] =	sbarrier.arrive $0xFFFF  }
0x4a: {  	[tilespmem:s20], [sflag:$0x1] =	stream.indirect.gather [hbm4b:s2+s19], $0x80, s30, s19, $0xb8;
	[tilespmem:$0x1A080] =	vst v63  }
0x4b: {  	_ =	swait.ge [sflag:s21], $0x3E80  }
0x4c: {  	[sflag:s21] =	ssyncset.done $0x0  }
0x4d: {  	s31 =	simm.s32 $0x1400;
	[sflag:s21] =	ssyncadd.s32 $0xFFFFC180  }
0x4e: {  	[spmem:s3] =	stream.indirect.scatter.add.f32 [tilespmem:s20], [sflag:$0x2], $0x80, s31, s19, $0xb8;
	[tilespmem:$0x1A080] =	vst v63  }
0x4f: {  	_ =	swait.ge [sflag:s17], $0x3E80  }
0x50: {  	s22 =	simm.s32 $0x200;
	s23 =	simm.s32 $0x400;
	[sflag:s17] =	ssyncset.done $0x0  }
.LBB2_4:
0x51: {  	s24 =	sshra.s32 s22, $0x2  }
0x52: {  	[sflag:s17] =	ssyncadd.s32 $0xFFFFC180;
	s22 =	smov.u32 s23;
	s25 =	sadd.s32 $0x200, s23  }
0x53: {  	[tilespmem:s20], [sflag:$0x1] =	stream.indirect.gather [hbm4b:s2+s19], $0x80, s24, s19, $0xb8;
	[tilespmem:$0x1A080] =	vst v63  }
0x54: {  	p1 =	sne.s32 s23, $0x4E00;
	_ =	swait.ge [sflag:s21], $0x3E80  }
.Ltmp1:
0x55: {  	[sflag:s21] =	ssyncset.done $0x0;
	(pc) =	sbr.rel @p1 .LBB2_4-.Ltmp1, $4  }
0x56: {  	s23 =	sadd.s32 $0x1400, s24;
	[sflag:s21] =	ssyncadd.s32 $0xFFFFC180  }
0x57: {  	[spmem:s3] =	stream.indirect.scatter.add.f32 [tilespmem:s20], [sflag:$0x2], $0x80, s23, s19, $0xb8;
	[tilespmem:$0x1A080] =	vst v63  }
0x58: {  	_ =	swait.ge [sflag:s17], $0x3E80  }
0x59: {  	s23 =	smov.u32 s25;
	[sflag:s17] =	ssyncset.done $0x0  }
0x5a: {  	s22 =	sshra.s32 s22, $0x2;
	[sflag:s17] =	ssyncadd.s32 $0xFFFFC180  }
0x5b: {  	[tilespmem:s20], [sflag:$0x1] =	stream.indirect.gather [hbm4b:s2+s19], $0x80, s22, s19, $0xb8;
	[tilespmem:$0x1A080] =	vst v63  }
0x5c: {  	_ =	swait.ge [sflag:s21], $0x3E80  }
0x5d: {  	[sflag:s21] =	ssyncset.done $0x0  }
0x5e: {  	s22 =	sadd.s32 $0x1400, s22;
	[sflag:s21] =	ssyncadd.s32 $0xFFFFC180  }
0x5f: {  	[spmem:s3] =	stream.indirect.scatter.add.f32 [tilespmem:s20], [sflag:$0x2], $0x80, s22, s19, $0xb8;
	[tilespmem:$0x1A080] =	vst v63  }
0x60: {  	_ =	swait.ge [sflag:s17], $0x3E80  }
0x61: {  	s23 =	sshrl.u32 @!p0 s5, $0x3;
	[sflag:s17] =	ssyncset.done $0x0  }
0x62: {  	s4 =	sadd.s32 $0x1, s4;
	s22 =	sshll.u32 @!p0 s0, $0x6;
	[sflag:s17] =	ssyncadd.s32 $0xFFFFC180  }
0x63: {  	p1 =	sne.s32 s4, s16;
	s22 =	sor.u32 @!p0 $0x1C02, s22;
	[bflag:$0x0] =	sbarrier.arrive $0xFFFF  }
0x64: {  	[hbm:s15], [sflag:s22] =	dma.local @!p0 [spmem:s23], $0x3E80  }
.Ltmp2:
0x65: {  	_ = 	snop;
	(pc) =	sbr.rel @p1 .LBB2_1-.Ltmp2, $4  }
0x66: {  	s22 =	simm.s32 @!p0 $0x2  }
0x67: {  	_ =	swait.ge @!p0 [sflag:s22], $0x3E80  }
0x68: {  	[sflag:s22] =	ssyncset.done @!p0 $0x0  }
0x69: {  	[sflag:s22] =	ssyncadd.s32 @!p0 $0xFFFFC180  }
0x6a: {  	_ =	sfence.sel $0x180000  }
0x6b: {  	[bflag:$0x0] =	sbarrier.arrive $0xFFFF  }
0x6c: {  	p0 =	sne.s32 s0, $0x0;
	_ =	strace $0x9000004A  }
0x6d: {  	s0 =	sadd.s32 @!p0 $0x100000, s1;
	[bflag:$0x2] =	sbarrier.arrive $0xFFFF  }
0x6e: {  	[sflag:s0] =	ssyncadd.tile.s32 @!p0 $0x1;
	_ =	shalt  }
.Lfunc_end2:
_tile_overlayer_lowered:
.L_overlay_start_2:
0x6f: {  	(tag) =	ssettag $0x2  }
0x70: {  	s0 =	rddreg [dreg:$0x0];
	s2 =	stileid.u32  }
0x71: {  	s1 =	rddreg [dreg:$0x1];
	p0 =	sne.s32 s2, $0x0  }
0x72: {  	s3 =	rddreg [dreg:$0x2];
	[bflag:$0x3] =	sbarrier.arrive $0xFFFF;
	s2 =	simm.s32 @!p0 $0x1C02  }
0x73: {  	[timem:s3], [sflag:s2] =	dma.local @!p0 [hbm:s0], s1  }
0x74: {  	s0 =	simm.s32 @!p0 $0x2  }
0x75: {  	_ =	swait.ge @!p0 [sflag:s0], s1  }
0x76: {  	s1 =	ssub.s32 @!p0 $0x0, s1;
	[sflag:s0] =	ssyncset.done @!p0 $0x0  }
0x77: {  	[sflag:s0] =	ssyncadd.s32 @!p0 s1  }
0x78: {  	[bflag:$0x3] =	sbarrier.arrive $0xFFFF  }
0x79: {  	_ =	shalt  }

// kernel: kernel.8.cloned.1.call-start
scs
__scs_entry_jumppad:
0x0: {  	(pc) =	sbr.rel $0x88, $3  }
0x1: {  	(tag) =	ssettag $0x0;
	lr =	simm.s32 $0x1  }
0x2: {  	[smem:$0x3F9A] =	sst lr;
	_ =	strace $0xD0000000  }
0x3: {  	_ = 	snop  }
0x4: {  	_ = 	snop  }
0x5: {  	_ = 	snop  }
0x6: {  	_ = 	snop  }
0x7: {  	_ = 	snop  }
__scs_overlays_trampoline_lowered:
0x8: {  	[smem:$0x3FA9] =	sst s0  }
0x9: {  	[smem:$0x3FAA] =	sst s1  }
0xa: {  	[smem:$0x3FAB] =	sst s2  }
0xb: {  	[smem:$0x3FAC] =	sst s3  }
0xc: {  	[smem:$0x3FAD] =	sst s4  }
0xd: {  	[smem:$0x3FAE] =	sst s5  }
0xe: {  	[smem:$0x3FAF] =	sst s6  }
0xf: {  	[smem:$0x3FB0] =	sst s7  }
0x10: {  	[smem:$0x3FB1] =	sst s8  }
0x11: {  	[smem:$0x3FB2] =	sst s9;
	s0 =	simm.s32 @!p0 $0x0  }
0x12: {  	s1 =	sld [smem:$0x3F98];
	s0 =	simm.s32 @p0 $0x1  }
0x13: {  	[smem:$0x3FB3] =	sst s0;
	s0 =	simm.s32 @!p1 $0x0  }
0x14: {  	s2 =	sld [smem:$0x3F97];
	s0 =	simm.s32 @p1 $0x1  }
0x15: {  	[smem:$0x3FB4] =	sst s0;
	s0 =	simm.s32 @!p2 $0x0  }
0x16: {  	s3 =	sld [smem:$0x3FDB];
	s0 =	simm.s32 @p2 $0x1  }
0x17: {  	s4 =	simm.s32 $0x1BF5;
	[smem:$0x3FB6] =	sst s0  }
0x18: {  	s0 =	sld [smem:$0x3F99];
	_ =	swait.ge [sflag:s4], $0x0  }
0x19: {  	s7 =	sld [smem:$0x3F9A]  }
0x1a: {  	s8 =	sadd.s32 $0xFFFFE003, lr  }
0x1b: {  	s9 =	sadd.s32 $0xFFFFFEF7, lr;
	s5 =	simm.s32 $0xFFFFFFFF;
	p2 =	slt.u32 s8, $0xFFFFF086  }
0x1c: {  	p1 =	slt.u32 s9, $0xF7A;
	s5 =	simm.s32 @!p2 $0x0  }
0x1d: {  	s5 =	simm.s32 @p1 $0x1;
	p0 =	seq.s32 s7, s2  }
0x1e: {  	s7 =	smul.u32 @!p0 $0xF7A, s2;
	p2 =	seq.s32 @!p0 s5, $0x0  }
0x1f: {  	s9 =	smul.u32 $0xF7A, s1;
	s8 =	simm.s32 @!p0 $0x1BF5;
	p2 =	por !p2, p0  }
0x20: {  	[sflag:s8] =	ssyncset.s32 @!p0 $0xFFFFF086;
	s6 =	sadd.s32 @!p0 s3, s7;
	s7 =	simm.s32 @!p0 $0x108  }
0x21: {  	s3 =	sadd.s32 s3, s9;
	s6 =	sadd.s32 @!p0 $0x88, s6;
	s7 =	simm.s32 @p2 $0x1082  }
0x22: {  	[simem:s7], [sflag:s8] =	dma.local @!p0 [hbm:s6], $0xF7A  }
0x23: {  	s9 =	sor.u32 $0xD0000000, s2;
	s6 =	simm.s32 $0x108;
	_ =	swait.ge @!p0 [sflag:s8], $0x0  }
0x24: {  	s3 =	sadd.s32 $0x88, s3;
	s6 =	simm.s32 @!p1 $0x1082;
	[sflag:s4] =	ssyncset.s32 $0xFFFFF086  }
0x25: {  	[simem:s6], [sflag:s4] =	dma.local [hbm:s3], $0xF7A  }
0x26: {  	[smem:$0x3F9A] =	sst s1;
	(tag) =	ssettag s2;
	_ =	strace s9  }
0x27: {  	s1 =	sld [smem:$0x3FAA]  }
0x28: {  	s2 =	sld [smem:$0x3FAB]  }
0x29: {  	s4 =	sld [smem:$0x3FAD]  }
0x2a: {  	p0 =	seq.s32 s5, $0x0;
	s5 =	sld [smem:$0x3FAE]  }
0x2b: {  	s6 =	sld [smem:$0x3FAF]  }
0x2c: {  	s7 =	sld [smem:$0x3FB0]  }
0x2d: {  	s3 =	simm.s32 $0x108;
	s8 =	sld [smem:$0x3FB1]  }
0x2e: {  	s3 =	simm.s32 @!p0 $0x1082;
	s9 =	sld [smem:$0x3FB2]  }
0x2f: {  	lr =	sadd.s32 s0, s3;
	s0 =	sld [smem:$0x3FA9]  }
0x30: {  	s3 =	sld [smem:$0x3FAC]  }
0x31: {  	[smem:$0x3FB5] =	sst s10  }
0x32: {  	s10 =	sld [smem:$0x3FB3];
	_ =	sdelay $0x3  }
0x33: {  	p0 =	seq.s32 s10, $0x1;
	s10 =	sld [smem:$0x3FB5];
	_ =	sdelay $0x3  }
0x34: {  	[smem:$0x3FB5] =	sst s10  }
0x35: {  	s10 =	sld [smem:$0x3FB4];
	_ =	sdelay $0x3  }
0x36: {  	p1 =	seq.s32 s10, $0x1;
	s10 =	sld [smem:$0x3FB5];
	_ =	sdelay $0x3  }
0x37: {  	[smem:$0x3FB5] =	sst s10  }
0x38: {  	s10 =	sld [smem:$0x3FB6]  }
0x39: {  	_ = 	snop;
	(pc) =	sbr.ind lr, $3  }
0x3a: {  	_ = 	snop  }
0x3b: {  	_ = 	snop  }
0x3c: {  	p2 =	seq.s32 s10, $0x1;
	s10 =	sld [smem:$0x3FB5]  }
0x3d: {  	_ =	shalt  }
0x3e: {  	_ =	shalt  }
0x3f: {  	_ =	shalt  }
0x40: {  	_ =	shalt  }
0x41: {  	_ =	shalt  }
0x42: {  	_ =	shalt  }
0x43: {  	_ =	shalt  }
0x44: {  	_ =	shalt  }
0x45: {  	_ =	shalt  }
0x46: {  	_ =	shalt  }
0x47: {  	_ =	shalt  }
0x48: {  	_ =	shalt  }
0x49: {  	_ =	shalt  }
0x4a: {  	_ =	shalt  }
0x4b: {  	_ =	shalt  }
0x4c: {  	_ =	shalt  }
0x4d: {  	_ =	shalt  }
0x4e: {  	_ =	shalt  }
0x4f: {  	_ =	shalt  }
0x50: {  	_ =	shalt  }
0x51: {  	_ =	shalt  }
0x52: {  	_ =	shalt  }
0x53: {  	_ =	shalt  }
0x54: {  	_ =	shalt  }
0x55: {  	_ =	shalt  }
0x56: {  	_ =	shalt  }
0x57: {  	_ =	shalt  }
0x58: {  	_ =	shalt  }
0x59: {  	_ =	shalt  }
0x5a: {  	_ =	shalt  }
0x5b: {  	_ =	shalt  }
0x5c: {  	_ =	shalt  }
0x5d: {  	_ =	shalt  }
0x5e: {  	_ =	shalt  }
0x5f: {  	_ =	shalt  }
0x60: {  	_ =	shalt  }
0x61: {  	_ =	shalt  }
0x62: {  	_ =	shalt  }
0x63: {  	_ =	shalt  }
0x64: {  	_ =	shalt  }
0x65: {  	_ =	shalt  }
0x66: {  	_ =	shalt  }
0x67: {  	_ =	shalt  }
0x68: {  	_ =	shalt  }
0x69: {  	_ =	shalt  }
0x6a: {  	_ =	shalt  }
0x6b: {  	_ =	shalt  }
0x6c: {  	_ =	shalt  }
0x6d: {  	_ =	shalt  }
0x6e: {  	_ =	shalt  }
0x6f: {  	_ =	shalt  }
0x70: {  	_ =	shalt  }
0x71: {  	_ =	shalt  }
0x72: {  	_ =	shalt  }
0x73: {  	_ =	shalt  }
0x74: {  	_ =	shalt  }
0x75: {  	_ =	shalt  }
0x76: {  	_ =	shalt  }
0x77: {  	_ =	shalt  }
0x78: {  	_ =	shalt  }
0x79: {  	_ =	shalt  }
0x7a: {  	_ =	shalt  }
0x7b: {  	_ =	shalt  }
0x7c: {  	_ =	shalt  }
0x7d: {  	_ =	shalt  }
0x7e: {  	_ =	shalt  }
0x7f: {  	_ =	shalt  }
0x80: {  	_ =	shalt  }
0x81: {  	_ =	shalt  }
0x82: {  	_ =	shalt  }
0x83: {  	_ =	shalt  }
0x84: {  	_ =	shalt  }
0x85: {  	_ =	shalt  }
0x86: {  	_ =	shalt  }
0x87: {  	_ =	shalt  }
.Lfunc_end0:
.L_simem_size_0:
called_computation_lowered:
.L_overlay_start_0:
0x88: {  	s2 =	sld [smem:$0x3FD9]  }
0x89: {  	s3 =	sld [smem:$0x3FFE];
	_ =	sdelay $0x1  }
0x8a: {  	s1 =	srdreg.scid  }
0x8b: {  	s0 =	sand.u32 $0x1, s1  }
0x8c: {  	s17 =	sshll.u32 s0, $0xA;
	s2 =	sadd.s32 s3, s2  }
0x8d: {  	s2 =	sadd.s32 s2, s17  }
0x8e: {  	[smem:$0x3FC1] =	sst s2  }
0x8f: {  	_ = 	snop  }
0x90: {  	s2 =	sld [smem:$0x3FD0];
	(tm) =	ssettm $0x1  }
0x91: {  	s18 =	sld [smem:$0x3FFB];
	_ =	sdelay $0x3  }
0x92: {  	_ =	strace s18  }
0x93: {  	s3 =	sld [smem:$0x3FFC];
	_ =	sdelay $0x3  }
0x94: {  	_ =	strace s3  }
0x95: {  	s3 =	sld [smem:$0x3FFD];
	_ =	sdelay $0x3  }
0x96: {  	_ =	strace s3  }
0x97: {  	_ =	strace $0x8FFFFFFF  }
0x98: {  	s19 =	sld [smem:$0x3FDB];
	_ =	sdelay $0x1  }
0x99: {  	s4 =	simm.s32 $_scs_section_size  }
0x9a: {  	s5 =	simm.s32 $_size__tile_overlayer_lowered;
	s6 =	simm.s32 $_tile_overlayer_lowered  }
0x9b: {  	s22 =	simm.s32 $0x1BFF;
	s21 =	sshll.u32 s6, $0x1;
	s3 =	sadd.s32 s4, s19  }
0x9c: {  	s7 =	simm.s32 $0x0;
	s20 =	sshll.u32 s5, $0x1;
	s5 =	sadd.s32 s21, s3  }
0x9d: {  	[timem:s7], [sflag:s22] =	dma.local [hbm:s5], s20  }
0x9e: {  	_ =	swait.ge [sflag:s22], s20  }
0x9f: {  	s4 =	ssub.s32 $0x0, s20;
	[sflag:s22] =	ssyncset.done $0x0  }
0xa0: {  	[sflag:s22] =	ssyncadd.s32 s4;
	_ =	sdelay $0x1  }
0xa1: {  	s23 =	simm.s32 $0x1B8B  }
0xa2: {  	_ =	swait.ge [sflag:s23], $0x1  }
0xa3: {  	[sflag:s23] =	ssyncset.done $0x0  }
0xa4: {  	s25 =	simm.s32 $0x1B8E;
	s24 =	sld [smem:$0x3FFE];
	[sflag:s23] =	ssyncadd.s32 $0xFFFFFFFF  }
0xa5: {  	s26 =	simm.s32 $execute0_lowered;
	[smem:$0x3FD2] =	sst s25  }
0xa6: {  	s5 =	sshll.u32 s26, $0x1;
	_ =	strace $0x80000046;
	[dreg:$0x1] =	wrdreg $0xFFFFFFFF  }
0xa7: {  	s28 =	simm.s32 $_size_execute0_lowered;
	s3 =	sadd.s32 s3, s5;
	[dreg:$0x0] =	wrdreg $0x0  }
0xa8: {  	s5 =	sshll.u32 s28, $0x1;
	[dreg:$0x2] =	wrdreg s3  }
0xa9: {  	[dreg:$0x3] =	wrdreg s5  }
0xaa: {  	[dreg:$0x4] =	wrdreg $0xC0  }
0xab: {  	_ =	task [dreg:s7], $0x5FFFF  }
0xac: {  	[dreg:$0x1] =	wrdreg $0xFFFFFFFF  }
0xad: {  	[dreg:$0x0] =	wrdreg $0x60  }
0xae: {  	[dreg:$0x2] =	wrdreg s24  }
0xaf: {  	[dreg:$0x3] =	wrdreg s2  }
0xb0: {  	[dreg:$0x4] =	wrdreg $0x9  }
0xb1: {  	_ =	task.clear_ibuf [dreg:s7], $0x5FFFF;
	_ =	strace $0x90000046  }
0xb2: {  	s29 =	simm.s32 $0x9;
	_ =	strace $0x80000048  }
0xb3: {  	_ =	swait.ge [sflag:s29], $0x1  }
0xb4: {  	[sflag:s29] =	ssyncadd.s32 $0xFFFFFFFF  }
0xb5: {  	_ =	strace $0x90000048  }
0xb6: {  	_ =	sfence  }
0xb7: {  	s30 =	sld [smem:$0x0];
	_ =	sdelay $0x2  }
0xb8: {  	s31 =	sshll.u32 s1, $0xD;
	s1 =	sshrl.u32 s1, $0x2  }
0xb9: {  	s3 =	sand.u32 $0x4000, s31;
	s1 =	sadd.s32 s1, s30  }
0xba: {  	s0 =	sor.u32 s3, s0;
	s1 =	sshll.u32 s1, $0x11  }
0xbb: {  	s0 =	sor.u32 s1, s0  }
0xbc: {  	s0 =	sadd.s32 $0x8F2B, s0  }
0xbd: {  	[sflag:s0] =	ssyncadd.remote.s32 $0x1  }
0xbe: {  	_ =	sfence.sel $0xFFFF  }
0xbf: {  	[dreg:$0x0] =	wrdreg $0xFFFFFFFF;
	(pc) =	sbr.abs _section_cstart, $3  }
0xc0: {  	[dreg:$0x1] =	wrdreg $0xFFFFFFFF  }
0xc1: {  	_ =	task.clear_ibuf [dreg:s7], $0x2FFFF;
	_ =	strace $0x9FFFFFFF  }
0xc2: {  	(tm) =	ssettm $0x7FFFFFFF  }
0xc3: {  	_ =	shalt  }
tec
execute0_lowered:
.L_overlay_start_1:
0x0: {  	(tag) =	ssettag $0x1  }
0x1: {  	s3 =	rddreg [dreg:$0x0]  }
0x2: {  	s4 =	rddreg [dreg:$0x1]  }
0x3: {  	s0 =	rddreg [dreg:$0x2];
	s2 =	simm.s32 $0x0;
	s5 =	srdreg.scid  }
0x4: {  	s1 =	stileid.u32;
	s10 =	simm.s32 $0x0;
	s5 =	sand.u32 $0x1, s5  }
0x5: {  	s6 =	sshrl.u32 s1, $0x2;
	s7 =	sshll.u32 s1, $0x8;
	[smem:$0x7FF] =	sst s2  }
0x6: {  	s8 =	sshll.u32 s5, $0x7;
	s7 =	sand.u32 $0x300, s7;
	s9 =	smul.u32 $0xA000, s6  }
0x7: {  	s6 =	smul.u32 $0x13C00, s6;
	s5 =	ssub.s32 $0x2, s5;
	s7 =	sor.u32 s8, s7  }
0x8: {  	_ =	strace $0x80000047;
	s31 =	sshrl.u32 s5, $0x1;
	s8 =	sor.u32 s9, s7  }
0x9: {  	s6 =	sor.u32 s6, s7;
	s5 =	ssub.s32 s5, s31;
	s7 =	simm.s32 $0x400  }
0xa: {  	s9 =	simm.s32 $0x1;
	s8 =	sshrl.u32 s8, $0x3;
	s6 =	sshrl.u32 s6, $0x3  }
0xb: {  	s5 =	smax.u32 s5, $0x1;
	s3 =	sadd.s32 s8, s3;
	s4 =	sadd.s32 s4, s6  }
0xc: {  	v0 =	vimm.f32 $0.0e+00;
	v1 =	vimm.f32 $1.000000000e+00;
	vm0 =	vcmask $0x3F20;
	s6 =	simm.s32 $0x80;
	s8 =	simm.s32 $0x2780;
	s3 =	sadd.s32 $0x1A00, s3  }
.LBB2_1:
0xd: {  	s11 =	simm.s32 $0x40;
	s12 =	simm.s32 $0x0  }
.LBB2_2:
0xe: {  	p0 =	sne.s32 s11, $0x9C00;
	[tilespmem:s12+$0x0] =	vst v0;
	s12 =	smov.u32 s11;
	s11 =	sadd.s32 $0x40, s11  }
.Ltmp0:
0xf: {  	(pc) =	sbr.rel @p0 .LBB2_2-.Ltmp0, $2  }
0x10: {  	_ =	sdelay $0x2  }
0x11: {  	s12 =	sshra.s32 s12, $0x2  }
0x12: {  	[tilespmem:s12+$0x0] =	vst v0  }
0x13: {  	[tilespmem:s8], [sflag:$0x1] =	stream.strided.gather [hbm4b:s3+s6], $0x1400, s7, s6, $0x38;
	[tilespmem:$0x3B80] =	vst v63  }
0x14: {  	_ =	swait.ge [sflag:s9], $0x1400  }
0x15: {  	[sflag:s9] =	ssyncset.done $0x0  }
0x16: {  	s12 =	simm.s32 $0x0;
	s11 =	simm.s32 $0x40;
	[sflag:s9] =	ssyncadd.s32 $0xFFFFEC00  }
.LBB2_4:
0x17: {  	p0 =	sne.s32 s11, $0x4DC0;
	v2 =	vld [tilespmem:s12+$0x2780];
	_ =	sdelay $0x3  }
.Ltmp1:
0x18: {  	(pc) =	sbr.rel @p0 .LBB2_4-.Ltmp1, $2  }
0x19: {  	_ =	sdelay $0x2  }
0x1a: {  	s12 =	sshra.s32 s11, $0x2;
	s11 =	sadd.s32 $0x40, s11;
	[tilespmem:v2+s2+$0x0] =	vst.idx.add.f32.msk $0xffff, v1  }
0x1b: {  	v2 =	vld [tilespmem:s12+$0x2780];
	_ =	sdelay $0x7  }
0x1c: {  	[tilespmem:v2+s2+$0x0] =	vst.idx.add.f32.msk $0xffff, v1  }
0x1d: {  	v2 =	vld [tilespmem:$0x3AF8];
	_ =	sdelay $0x5  }
0x1e: {  	s10 =	sadd.s32 $0x1, s10  }
0x1f: {  	p0 =	sne.s32 s10, s5  }
.Ltmp2:
0x20: {  	[tilespmem:v2+s2+$0x0] =	vst.idx.add.f32.msk vm0, v1;
	(pc) =	sbr.rel @p0 .LBB2_1-.Ltmp2, $4  }
0x21: {  	[hbm4b:s4+s6] =	stream.strided.scatter [tilespmem:s2], [sflag:$0x1], $0x2780, s7, s6, $0x38;
	[tilespmem:$0x3B80] =	vst v63  }
0x22: {  	_ =	swait.ge [sflag:s9], $0x2780  }
0x23: {  	[sflag:s9] =	ssyncset.done $0x0  }
0x24: {  	[sflag:s9] =	ssyncadd.s32 $0xFFFFD880  }
0x25: {  	_ =	sfence.sel $0x180000  }
0x26: {  	[bflag:$0x0] =	sbarrier.arrive $0xFFFF  }
0x27: {  	p0 =	sne.s32 s1, $0x0;
	_ =	strace $0x90000047  }
0x28: {  	s0 =	sadd.s32 @!p0 $0x100000, s0;
	[bflag:$0x2] =	sbarrier.arrive $0xFFFF  }
0x29: {  	[sflag:s0] =	ssyncadd.tile.s32 @!p0 $0x1;
	_ =	shalt  }
.Lfunc_end2:
_tile_overlayer_lowered:
.L_overlay_start_2:
0x2a: {  	(tag) =	ssettag $0x2  }
0x2b: {  	s0 =	rddreg [dreg:$0x0];
	s2 =	stileid.u32  }
0x2c: {  	s1 =	rddreg [dreg:$0x1];
	p0 =	sne.s32 s2, $0x0  }
0x2d: {  	s3 =	rddreg [dreg:$0x2];
	[bflag:$0x3] =	sbarrier.arrive $0xFFFF;
	s2 =	simm.s32 @!p0 $0x1C01  }
0x2e: {  	[timem:s3], [sflag:s2] =	dma.local @!p0 [hbm:s0], s1  }
0x2f: {  	s0 =	simm.s32 @!p0 $0x1  }
0x30: {  	_ =	swait.ge @!p0 [sflag:s0], s1  }
0x31: {  	s1 =	ssub.s32 @!p0 $0x0, s1;
	[sflag:s0] =	ssyncset.done @!p0 $0x0  }
0x32: {  	[sflag:s0] =	ssyncadd.s32 @!p0 s1  }
0x33: {  	[bflag:$0x3] =	sbarrier.arrive $0xFFFF  }
0x34: {  	_ =	shalt  }

</sc_bundles>
